<compile_context>
chip_gen: v7x
topology: tpu7x:2x2x1
jax: 0.10.2.dev20260603
libtpu: 0.0.44.dev20260713+nightly
codegen_flags: <defaults>
</compile_context>

<pallas_src>
import jax
import jax.numpy as jnp
from jax import lax
from jax.experimental import pallas as pl
from jax.experimental.pallas import tpu as pltpu
from jax.experimental.pallas import tpu_sc as plsc

_N_ENT = 100000
_N_REL = 1000
_D = 64

_N_ENT_V = _N_ENT // 2
_D_V = 2 * _D
_S = 4
_CH_TC = 2500
_NCH_TC = _N_ENT_V // _CH_TC


def _tc_ent_body(a_hbm, b_hbm, o_hbm, ab, bb, ob, insem, outsem):
    def in_copies(k, s):
        rows = pl.ds(k * _CH_TC, _CH_TC)
        return (
            pltpu.make_async_copy(a_hbm.at[rows], ab.at[s], insem.at[s]),
            pltpu.make_async_copy(b_hbm.at[rows], bb.at[s], insem.at[s]),
        )

    def out_copy(k, s):
        rows = pl.ds(k * _CH_TC, _CH_TC)
        return pltpu.make_async_copy(ob.at[s], o_hbm.at[rows], outsem.at[s])

    for s in range(_S):
        for c in in_copies(s, s):
            c.start()

    def step(k, _):
        s = lax.rem(k, _S)
        for c in in_copies(k, s):
            c.wait()

        @pl.when(k >= _S)
        def _():
            out_copy(k - _S, s).wait()

        ob[s] = ab[s] + bb[s]
        out_copy(k, s).start()

        @pl.when(k + _S < _NCH_TC)
        def _():
            for c in in_copies(k + _S, s):
                c.start()

        return 0

    lax.fori_loop(0, _NCH_TC, step, 0)

    for s in range(_S):
        out_copy(_NCH_TC - _S + s, (_NCH_TC - _S + s) % _S).wait()


_tc_ent_add = pl.pallas_call(
    _tc_ent_body,
    in_specs=[
        pl.BlockSpec(memory_space=pl.ANY),
        pl.BlockSpec(memory_space=pl.ANY),
    ],
    out_specs=pl.BlockSpec(memory_space=pl.ANY),
    out_shape=jax.ShapeDtypeStruct((_N_ENT_V, _D_V), jnp.float32),
    scratch_shapes=[
        pltpu.VMEM((_S, _CH_TC, _D_V), jnp.float32),
        pltpu.VMEM((_S, _CH_TC, _D_V), jnp.float32),
        pltpu.VMEM((_S, _CH_TC, _D_V), jnp.float32),
        pltpu.SemaphoreType.DMA((_S,)),
        pltpu.SemaphoreType.DMA((_S,)),
    ],
)

_NUM_CORES = 2
_NUM_SUBCORES = 16
_LANES = 16
_RCH = 32
_REL_LAST = _N_REL - _RCH


def _add_rows(a, b, rows, rpi):

    def step(i, _):
        r0 = i * rpi
        for r in range(rpi):
            for j in range(_D // _LANES):
                sl = pl.ds(j * _LANES, _LANES)
                a[r0 + r, sl] = a[r0 + r, sl] + b[r0 + r, sl]
        return 0

    lax.fori_loop(0, rows // rpi, step, 0)


def _sc_rel_body(r0, r1, out_r, a, b):
    wid = lax.axis_index("s") * _NUM_CORES + lax.axis_index("c")
    base = pl.multiple_of(jnp.minimum(wid * _RCH, _REL_LAST), 8)
    rows = pl.ds(base, _RCH)
    pltpu.sync_copy(r0.at[rows], a)
    pltpu.sync_copy(r1.at[rows], b)
    _add_rows(a, b, _RCH, 8)
    pltpu.sync_copy(a, out_r.at[rows])


_sc_rel_add = pl.kernel(
    _sc_rel_body,
    out_type=jax.ShapeDtypeStruct((_N_REL, _D), jnp.float32),
    mesh=plsc.VectorSubcoreMesh(
        core_axis_name="c",
        subcore_axis_name="s",
        num_cores=_NUM_CORES,
        num_subcores=_NUM_SUBCORES,
    ),
    scratch_types=[
        pltpu.VMEM((_RCH, _D), jnp.float32),
        pltpu.VMEM((_RCH, _D), jnp.float32),
    ],
)


_BLK = 5000


def _tc_both_body(a, b, r0, r1, o, orel):
    o[...] = a[...] + b[...]

    @pl.when(pl.program_id(0) == 0)
    def _():
        orel[...] = r0[...] + r1[...]


_tc_both_add = pl.pallas_call(
    _tc_both_body,
    grid=(_N_ENT // _BLK,),
    in_specs=[
        pl.BlockSpec((_BLK, _D), lambda i: (i, 0)),
        pl.BlockSpec((_BLK, _D), lambda i: (i, 0)),
        pl.BlockSpec((_N_REL, _D), lambda i: (0, 0)),
        pl.BlockSpec((_N_REL, _D), lambda i: (0, 0)),
    ],
    out_specs=[
        pl.BlockSpec((_BLK, _D), lambda i: (i, 0)),
        pl.BlockSpec((_N_REL, _D), lambda i: (0, 0)),
    ],
    out_shape=[
        jax.ShapeDtypeStruct((_N_ENT, _D), jnp.float32),
        jax.ShapeDtypeStruct((_N_REL, _D), jnp.float32),
    ],
)


def kernel(inputs, ent_embeds_0, rel_embeds_0, ent_embeds_1, rel_embeds_1):
    del inputs
    e0 = ent_embeds_0.reshape(_N_ENT_V, _D_V)
    e1 = ent_embeds_1.reshape(_N_ENT_V, _D_V)
    out_ent = _tc_ent_add(e0, e1).reshape(_N_ENT, _D)
    out_rel = _sc_rel_add(rel_embeds_0, rel_embeds_1)
    return (out_ent, out_rel)

# --- scband reference (transcript-rebuilt; emitter-appended) ---
"""Pipeline reference for scband-init-layer-17076789969302 (READ-ONLY COPY).

The authoritative reference and input builder live on the scoring server;
editing this copy changes nothing except your own understanding.
"""

import jax, jax.numpy as jnp
import numpy as np
import math

NUM_SUPPORTS = 2
N_ENT = 100000
N_REL = 1000
D_ENT = 64
D_REL = 64


def _glorot(key, shape):
    # glorot uniform init as in the original GCN-style code
    init_range = math.sqrt(6.0 / (shape[0] + shape[1]))
    return jax.random.uniform(key, shape, minval=-init_range, maxval=init_range, dtype=jnp.float32)


def setup_inputs(seed: int = 0) -> dict:
    key = jax.random.key(seed)
    keys = jax.random.split(key, 2 * NUM_SUPPORTS)
    inp = {}
    # dummy forward input (unused when featureless=True)
    inp["inputs"] = jnp.zeros((1,), dtype=jnp.float32)
    for i in range(NUM_SUPPORTS):
        inp["ent_embeds_%d" % i] = _glorot(keys[2 * i], (N_ENT, D_ENT))
        inp["rel_embeds_%d" % i] = _glorot(keys[2 * i + 1], (N_REL, D_REL))
    return inp


def reference(inputs, ent_embeds_0, rel_embeds_0, ent_embeds_1, rel_embeds_1):
    # featureless=True: pre_ent is the entity table itself, pre_rel is the relation table.
    ent_supports = [ent_embeds_0, ent_embeds_1]
    rel_supports = [rel_embeds_0, rel_embeds_1]
    # tf.add_n over supports
    output_ent = ent_supports[0]
    for t in ent_supports[1:]:
        output_ent = output_ent + t
    output_rel = rel_supports[0]
    for t in rel_supports[1:]:
        output_rel = output_rel + t
    return (output_ent, output_rel)

if __name__ == "__main__":
    import jax
    _d = setup_inputs()
    print(jax.jit(kernel)(*tuple(_d.values())))

</pallas_src>

<mosaic_0001>
#map = affine_map<(d0, d1) -> (0, 0)>
module attributes {stable_mosaic.version = 14 : i64} {
  func.func @_sc_rel_body(%arg0: i32, %arg1: i32, %arg2: memref<1000x64xf32, #tpu.memory_space<hbm>>, %arg3: memref<1000x64xf32, #tpu.memory_space<hbm>>, %arg4: memref<1000x64xf32, #tpu.memory_space<hbm>>, %arg5: memref<32x64xf32, #tpu.memory_space<vmem>>, %arg6: memref<32x64xf32, #tpu.memory_space<vmem>>) attributes {dimension_semantics = [#tpu.dimension_semantics<core_parallel>, #tpu.dimension_semantics<subcore_parallel>], iteration_bounds = array<i64: 2, 16>, scalar_prefetch = 0 : i64, scratch_operands = 2 : i64, tpu.core_type = #tpu.core_type<sc_vector_subcore>, window_params = [{transform_indices = #map}, {transform_indices = #map}, {transform_indices = #map}]} {
    %mul3A = arith.constant 2 : i32
    %mul3A_0 = arith.muli %arg1, %mul3A : i32
    %add3A = arith.addi %mul3A_0, %arg0 : i32
    %mul3A_1 = arith.constant 32 : i32
    %mul3A_2 = arith.muli %add3A, %mul3A_1 : i32
    %min3A = arith.constant 968 : i32
    %min3A_3 = arith.minsi %mul3A_2, %min3A : i32
    %multiple_of3A = tpu.assume_multiple %min3A_3, 8 : i32
    "tpu.region"() ({
      %run_scoped3A = tpu.sem_alloc : memref<!tpu.dma_semaphore, #tpu.memory_space<semaphore_mem>>
      %dma_start3A = arith.constant 0 : i32
      %dma_start3A_10 = tpu.memref_slice %arg2[%multiple_of3A, %dma_start3A] : memref<1000x64xf32, #tpu.memory_space<hbm>> -> memref<32x64xf32, #tpu.memory_space<hbm>>
      %dma_start3A_11 = arith.constant 0 : i32
      %dma_start3A_12 = tpu.memref_slice %arg2[%multiple_of3A, %dma_start3A_11] : memref<1000x64xf32, #tpu.memory_space<hbm>> -> memref<32x64xf32, #tpu.memory_space<hbm>>
      tpu.enqueue_dma source(%dma_start3A_12 : memref<32x64xf32, #tpu.memory_space<hbm>>) target(%arg5 : memref<32x64xf32, #tpu.memory_space<vmem>>) target_semaphore(%run_scoped3A : memref<!tpu.dma_semaphore, #tpu.memory_space<semaphore_mem>>)
      %dma_wait3A = arith.constant 0 : i32
      %dma_wait3A_13 = tpu.memref_slice %arg2[%multiple_of3A, %dma_wait3A] : memref<1000x64xf32, #tpu.memory_space<hbm>> -> memref<32x64xf32, #tpu.memory_space<hbm>>
      %dma_wait3A_14 = arith.constant 0 : i32
      %dma_wait3A_15 = tpu.memref_slice %arg2[%multiple_of3A, %dma_wait3A_14] : memref<1000x64xf32, #tpu.memory_space<hbm>> -> memref<32x64xf32, #tpu.memory_space<hbm>>
      tpu.wait_dma2 semaphore(%run_scoped3A : memref<!tpu.dma_semaphore, #tpu.memory_space<semaphore_mem>>) src(%dma_wait3A_15 : memref<32x64xf32, #tpu.memory_space<hbm>>) dst(%arg5 : memref<32x64xf32, #tpu.memory_space<vmem>>)
      tpu.yield
    }) : () -> ()
    "tpu.region"() ({
      %run_scoped3A = tpu.sem_alloc : memref<!tpu.dma_semaphore, #tpu.memory_space<semaphore_mem>>
      %dma_start3A = arith.constant 0 : i32
      %dma_start3A_10 = tpu.memref_slice %arg3[%multiple_of3A, %dma_start3A] : memref<1000x64xf32, #tpu.memory_space<hbm>> -> memref<32x64xf32, #tpu.memory_space<hbm>>
      %dma_start3A_11 = arith.constant 0 : i32
      %dma_start3A_12 = tpu.memref_slice %arg3[%multiple_of3A, %dma_start3A_11] : memref<1000x64xf32, #tpu.memory_space<hbm>> -> memref<32x64xf32, #tpu.memory_space<hbm>>
      tpu.enqueue_dma source(%dma_start3A_12 : memref<32x64xf32, #tpu.memory_space<hbm>>) target(%arg6 : memref<32x64xf32, #tpu.memory_space<vmem>>) target_semaphore(%run_scoped3A : memref<!tpu.dma_semaphore, #tpu.memory_space<semaphore_mem>>)
      %dma_wait3A = arith.constant 0 : i32
      %dma_wait3A_13 = tpu.memref_slice %arg3[%multiple_of3A, %dma_wait3A] : memref<1000x64xf32, #tpu.memory_space<hbm>> -> memref<32x64xf32, #tpu.memory_space<hbm>>
      %dma_wait3A_14 = arith.constant 0 : i32
      %dma_wait3A_15 = tpu.memref_slice %arg3[%multiple_of3A, %dma_wait3A_14] : memref<1000x64xf32, #tpu.memory_space<hbm>> -> memref<32x64xf32, #tpu.memory_space<hbm>>
      tpu.wait_dma2 semaphore(%run_scoped3A : memref<!tpu.dma_semaphore, #tpu.memory_space<semaphore_mem>>) src(%dma_wait3A_15 : memref<32x64xf32, #tpu.memory_space<hbm>>) dst(%arg6 : memref<32x64xf32, #tpu.memory_space<vmem>>)
      tpu.yield
    }) : () -> ()
    %scan3A = arith.constant 0 : i32
    %scan3A_4 = arith.constant 0 : i32
    %scan3A_5 = arith.constant 4 : i32
    %scan3A_6 = arith.addi %scan3A_4, %scan3A_5 : i32
    %scan3A_7 = arith.constant 1 : i32
    %scan3A_8 = scf.for %scan3A_10 = %scan3A_4 to %scan3A_6 step %scan3A_7 iter_args(%scan3A_11 = %scan3A) -> (i32)  : i32 {
      %mul3A_12 = arith.constant 8 : i32
      %mul3A_13 = arith.muli %scan3A_10, %mul3A_12 : i32
      %add3A_14 = arith.constant 0 : i32
      %add3A_15 = arith.addi %mul3A_13, %add3A_14 : i32
      %get3A = arith.index_cast %add3A_15 : i32 to index
      %get3A_16 = arith.constant 0 : index
      %get3A_17 = tpu.vector_load %arg5[%get3A, %get3A_16] {strides = array<i32>} : memref<32x64xf32, #tpu.memory_space<vmem>>, vector<1x16xf32>,
      %get3A_18 = vector.shape_cast %get3A_17 : vector<1x16xf32> to vector<16xf32>
      %add3A_19 = arith.constant 0 : i32
      %add3A_20 = arith.addi %mul3A_13, %add3A_19 : i32
      %get3A_21 = arith.index_cast %add3A_20 : i32 to index
      %get3A_22 = arith.constant 0 : index
      %get3A_23 = tpu.vector_load %arg6[%get3A_21, %get3A_22] {strides = array<i32>} : memref<32x64xf32, #tpu.memory_space<vmem>>, vector<1x16xf32>,
      %get3A_24 = vector.shape_cast %get3A_23 : vector<1x16xf32> to vector<16xf32>
      %add3A_25 = arith.addf %get3A_18, %get3A_24 : vector<16xf32>
      %add3A_26 = arith.constant 0 : i32
      %add3A_27 = arith.addi %mul3A_13, %add3A_26 : i32
      %swap3A = arith.index_cast %add3A_27 : i32 to index
      %swap3A_28 = arith.constant 0 : index
      %swap3A_29 = tpu.vector_load %arg5[%swap3A, %swap3A_28] {strides = array<i32>} : memref<32x64xf32, #tpu.memory_space<vmem>>, vector<1x16xf32>,
      %swap3A_30 = vector.shape_cast %swap3A_29 : vector<1x16xf32> to vector<16xf32>
      %swap3A_31 = vector.shape_cast %add3A_25 : vector<16xf32> to vector<1x16xf32>
      tpu.vector_store %arg5[%swap3A, %swap3A_28], %swap3A_31 {strides = array<i32>} : memref<32x64xf32, #tpu.memory_space<vmem>>, vector<1x16xf32>,
      %add3A_32 = arith.constant 0 : i32
      %add3A_33 = arith.addi %mul3A_13, %add3A_32 : i32
      %get3A_34 = arith.index_cast %add3A_33 : i32 to index
      %get3A_35 = arith.constant 16 : index
      %get3A_36 = tpu.vector_load %arg5[%get3A_34, %get3A_35] {strides = array<i32>} : memref<32x64xf32, #tpu.memory_space<vmem>>, vector<1x16xf32>,
      %get3A_37 = vector.shape_cast %get3A_36 : vector<1x16xf32> to vector<16xf32>
      %add3A_38 = arith.constant 0 : i32
      %add3A_39 = arith.addi %mul3A_13, %add3A_38 : i32
      %get3A_40 = arith.index_cast %add3A_39 : i32 to index
      %get3A_41 = arith.constant 16 : index
      %get3A_42 = tpu.vector_load %arg6[%get3A_40, %get3A_41] {strides = array<i32>} : memref<32x64xf32, #tpu.memory_space<vmem>>, vector<1x16xf32>,
      %get3A_43 = vector.shape_cast %get3A_42 : vector<1x16xf32> to vector<16xf32>
      %add3A_44 = arith.addf %get3A_37, %get3A_43 : vector<16xf32>
      %add3A_45 = arith.constant 0 : i32
      %add3A_46 = arith.addi %mul3A_13, %add3A_45 : i32
      %swap3A_47 = arith.index_cast %add3A_46 : i32 to index
      %swap3A_48 = arith.constant 16 : index
      %swap3A_49 = tpu.vector_load %arg5[%swap3A_47, %swap3A_48] {strides = array<i32>} : memref<32x64xf32, #tpu.memory_space<vmem>>, vector<1x16xf32>,
      %swap3A_50 = vector.shape_cast %swap3A_49 : vector<1x16xf32> to vector<16xf32>
      %swap3A_51 = vector.shape_cast %add3A_44 : vector<16xf32> to vector<1x16xf32>
      tpu.vector_store %arg5[%swap3A_47, %swap3A_48], %swap3A_51 {strides = array<i32>} : memref<32x64xf32, #tpu.memory_space<vmem>>, vector<1x16xf32>,
      %add3A_52 = arith.constant 0 : i32
      %add3A_53 = arith.addi %mul3A_13, %add3A_52 : i32
      %get3A_54 = arith.index_cast %add3A_53 : i32 to index
      %get3A_55 = arith.constant 32 : index
      %get3A_56 = tpu.vector_load %arg5[%get3A_54, %get3A_55] {strides = array<i32>} : memref<32x64xf32, #tpu.memory_space<vmem>>, vector<1x16xf32>,
      %get3A_57 = vector.shape_cast %get3A_56 : vector<1x16xf32> to vector<16xf32>
      %add3A_58 = arith.constant 0 : i32
      %add3A_59 = arith.addi %mul3A_13, %add3A_58 : i32
      %get3A_60 = arith.index_cast %add3A_59 : i32 to index
      %get3A_61 = arith.constant 32 : index
      %get3A_62 = tpu.vector_load %arg6[%get3A_60, %get3A_61] {strides = array<i32>} : memref<32x64xf32, #tpu.memory_space<vmem>>, vector<1x16xf32>,
      %get3A_63 = vector.shape_cast %get3A_62 : vector<1x16xf32> to vector<16xf32>
      %add3A_64 = arith.addf %get3A_57, %get3A_63 : vector<16xf32>
      %add3A_65 = arith.constant 0 : i32
      %add3A_66 = arith.addi %mul3A_13, %add3A_65 : i32
      %swap3A_67 = arith.index_cast %add3A_66 : i32 to index
      %swap3A_68 = arith.constant 32 : index
      %swap3A_69 = tpu.vector_load %arg5[%swap3A_67, %swap3A_68] {strides = array<i32>} : memref<32x64xf32, #tpu.memory_space<vmem>>, vector<1x16xf32>,
      %swap3A_70 = vector.shape_cast %swap3A_69 : vector<1x16xf32> to vector<16xf32>
      %swap3A_71 = vector.shape_cast %add3A_64 : vector<16xf32> to vector<1x16xf32>
      tpu.vector_store %arg5[%swap3A_67, %swap3A_68], %swap3A_71 {strides = array<i32>} : memref<32x64xf32, #tpu.memory_space<vmem>>, vector<1x16xf32>,
      %add3A_72 = arith.constant 0 : i32
      %add3A_73 = arith.addi %mul3A_13, %add3A_72 : i32
      %get3A_74 = arith.index_cast %add3A_73 : i32 to index
      %get3A_75 = arith.constant 48 : index
      %get3A_76 = tpu.vector_load %arg5[%get3A_74, %get3A_75] {strides = array<i32>} : memref<32x64xf32, #tpu.memory_space<vmem>>, vector<1x16xf32>,
      %get3A_77 = vector.shape_cast %get3A_76 : vector<1x16xf32> to vector<16xf32>
      %add3A_78 = arith.constant 0 : i32
      %add3A_79 = arith.addi %mul3A_13, %add3A_78 : i32
      %get3A_80 = arith.index_cast %add3A_79 : i32 to index
      %get3A_81 = arith.constant 48 : index
      %get3A_82 = tpu.vector_load %arg6[%get3A_80, %get3A_81] {strides = array<i32>} : memref<32x64xf32, #tpu.memory_space<vmem>>, vector<1x16xf32>,
      %get3A_83 = vector.shape_cast %get3A_82 : vector<1x16xf32> to vector<16xf32>
      %add3A_84 = arith.addf %get3A_77, %get3A_83 : vector<16xf32>
      %add3A_85 = arith.constant 0 : i32
      %add3A_86 = arith.addi %mul3A_13, %add3A_85 : i32
      %swap3A_87 = arith.index_cast %add3A_86 : i32 to index
      %swap3A_88 = arith.constant 48 : index
      %swap3A_89 = tpu.vector_load %arg5[%swap3A_87, %swap3A_88] {strides = array<i32>} : memref<32x64xf32, #tpu.memory_space<vmem>>, vector<1x16xf32>,
      %swap3A_90 = vector.shape_cast %swap3A_89 : vector<1x16xf32> to vector<16xf32>
      %swap3A_91 = vector.shape_cast %add3A_84 : vector<16xf32> to vector<1x16xf32>
      tpu.vector_store %arg5[%swap3A_87, %swap3A_88], %swap3A_91 {strides = array<i32>} : memref<32x64xf32, #tpu.memory_space<vmem>>, vector<1x16xf32>,
      %add3A_92 = arith.constant 1 : i32
      %add3A_93 = arith.addi %mul3A_13, %add3A_92 : i32
      %get3A_94 = arith.index_cast %add3A_93 : i32 to index
      %get3A_95 = arith.constant 0 : index
      %get3A_96 = tpu.vector_load %arg5[%get3A_94, %get3A_95] {strides = array<i32>} : memref<32x64xf32, #tpu.memory_space<vmem>>, vector<1x16xf32>,
      %get3A_97 = vector.shape_cast %get3A_96 : vector<1x16xf32> to vector<16xf32>
      %add3A_98 = arith.constant 1 : i32
      %add3A_99 = arith.addi %mul3A_13, %add3A_98 : i32
      %get3A_100 = arith.index_cast %add3A_99 : i32 to index
      %get3A_101 = arith.constant 0 : index
      %get3A_102 = tpu.vector_load %arg6[%get3A_100, %get3A_101] {strides = array<i32>} : memref<32x64xf32, #tpu.memory_space<vmem>>, vector<1x16xf32>,
      %get3A_103 = vector.shape_cast %get3A_102 : vector<1x16xf32> to vector<16xf32>
      %add3A_104 = arith.addf %get3A_97, %get3A_103 : vector<16xf32>
      %add3A_105 = arith.constant 1 : i32
      %add3A_106 = arith.addi %mul3A_13, %add3A_105 : i32
      %swap3A_107 = arith.index_cast %add3A_106 : i32 to index
      %swap3A_108 = arith.constant 0 : index
      %swap3A_109 = tpu.vector_load %arg5[%swap3A_107, %swap3A_108] {strides = array<i32>} : memref<32x64xf32, #tpu.memory_space<vmem>>, vector<1x16xf32>,
      %swap3A_110 = vector.shape_cast %swap3A_109 : vector<1x16xf32> to vector<16xf32>
      %swap3A_111 = vector.shape_cast %add3A_104 : vector<16xf32> to vector<1x16xf32>
      tpu.vector_store %arg5[%swap3A_107, %swap3A_108], %swap3A_111 {strides = array<i32>} : memref<32x64xf32, #tpu.memory_space<vmem>>, vector<1x16xf32>,
      %add3A_112 = arith.constant 1 : i32
      %add3A_113 = arith.addi %mul3A_13, %add3A_112 : i32
      %get3A_114 = arith.index_cast %add3A_113 : i32 to index
      %get3A_115 = arith.constant 16 : index
      %get3A_116 = tpu.vector_load %arg5[%get3A_114, %get3A_115] {strides = array<i32>} : memref<32x64xf32, #tpu.memory_space<vmem>>, vector<1x16xf32>,
      %get3A_117 = vector.shape_cast %get3A_116 : vector<1x16xf32> to vector<16xf32>
      %add3A_118 = arith.constant 1 : i32
      %add3A_119 = arith.addi %mul3A_13, %add3A_118 : i32
      %get3A_120 = arith.index_cast %add3A_119 : i32 to index
      %get3A_121 = arith.constant 16 : index
      %get3A_122 = tpu.vector_load %arg6[%get3A_120, %get3A_121] {strides = array<i32>} : memref<32x64xf32, #tpu.memory_space<vmem>>, vector<1x16xf32>,
      %get3A_123 = vector.shape_cast %get3A_122 : vector<1x16xf32> to vector<16xf32>
      %add3A_124 = arith.addf %get3A_117, %get3A_123 : vector<16xf32>
      %add3A_125 = arith.constant 1 : i32
      %add3A_126 = arith.addi %mul3A_13, %add3A_125 : i32
      %swap3A_127 = arith.index_cast %add3A_126 : i32 to index
      %swap3A_128 = arith.constant 16 : index
      %swap3A_129 = tpu.vector_load %arg5[%swap3A_127, %swap3A_128] {strides = array<i32>} : memref<32x64xf32, #tpu.memory_space<vmem>>, vector<1x16xf32>,
      %swap3A_130 = vector.shape_cast %swap3A_129 : vector<1x16xf32> to vector<16xf32>
      %swap3A_131 = vector.shape_cast %add3A_124 : vector<16xf32> to vector<1x16xf32>
      tpu.vector_store %arg5[%swap3A_127, %swap3A_128], %swap3A_131 {strides = array<i32>} : memref<32x64xf32, #tpu.memory_space<vmem>>, vector<1x16xf32>,
      %add3A_132 = arith.constant 1 : i32
      %add3A_133 = arith.addi %mul3A_13, %add3A_132 : i32
      %get3A_134 = arith.index_cast %add3A_133 : i32 to index
      %get3A_135 = arith.constant 32 : index
      %get3A_136 = tpu.vector_load %arg5[%get3A_134, %get3A_135] {strides = array<i32>} : memref<32x64xf32, #tpu.memory_space<vmem>>, vector<1x16xf32>,
      %get3A_137 = vector.shape_cast %get3A_136 : vector<1x16xf32> to vector<16xf32>
      %add3A_138 = arith.constant 1 : i32
      %add3A_139 = arith.addi %mul3A_13, %add3A_138 : i32
      %get3A_140 = arith.index_cast %add3A_139 : i32 to index
      %get3A_141 = arith.constant 32 : index
      %get3A_142 = tpu.vector_load %arg6[%get3A_140, %get3A_141] {strides = array<i32>} : memref<32x64xf32, #tpu.memory_space<vmem>>, vector<1x16xf32>,
      %get3A_143 = vector.shape_cast %get3A_142 : vector<1x16xf32> to vector<16xf32>
      %add3A_144 = arith.addf %get3A_137, %get3A_143 : vector<16xf32>
      %add3A_145 = arith.constant 1 : i32
      %add3A_146 = arith.addi %mul3A_13, %add3A_145 : i32
      %swap3A_147 = arith.index_cast %add3A_146 : i32 to index
      %swap3A_148 = arith.constant 32 : index
      %swap3A_149 = tpu.vector_load %arg5[%swap3A_147, %swap3A_148] {strides = array<i32>} : memref<32x64xf32, #tpu.memory_space<vmem>>, vector<1x16xf32>,
      %swap3A_150 = vector.shape_cast %swap3A_149 : vector<1x16xf32> to vector<16xf32>
      %swap3A_151 = vector.shape_cast %add3A_144 : vector<16xf32> to vector<1x16xf32>
      tpu.vector_store %arg5[%swap3A_147, %swap3A_148], %swap3A_151 {strides = array<i32>} : memref<32x64xf32, #tpu.memory_space<vmem>>, vector<1x16xf32>,
      %add3A_152 = arith.constant 1 : i32
      %add3A_153 = arith.addi %mul3A_13, %add3A_152 : i32
      %get3A_154 = arith.index_cast %add3A_153 : i32 to index
      %get3A_155 = arith.constant 48 : index
      %get3A_156 = tpu.vector_load %arg5[%get3A_154, %get3A_155] {strides = array<i32>} : memref<32x64xf32, #tpu.memory_space<vmem>>, vector<1x16xf32>,
      %get3A_157 = vector.shape_cast %get3A_156 : vector<1x16xf32> to vector<16xf32>
      %add3A_158 = arith.constant 1 : i32
      %add3A_159 = arith.addi %mul3A_13, %add3A_158 : i32
      %get3A_160 = arith.index_cast %add3A_159 : i32 to index
      %get3A_161 = arith.constant 48 : index
      %get3A_162 = tpu.vector_load %arg6[%get3A_160, %get3A_161] {strides = array<i32>} : memref<32x64xf32, #tpu.memory_space<vmem>>, vector<1x16xf32>,
      %get3A_163 = vector.shape_cast %get3A_162 : vector<1x16xf32> to vector<16xf32>
      %add3A_164 = arith.addf %get3A_157, %get3A_163 : vector<16xf32>
      %add3A_165 = arith.constant 1 : i32
      %add3A_166 = arith.addi %mul3A_13, %add3A_165 : i32
      %swap3A_167 = arith.index_cast %add3A_166 : i32 to index
      %swap3A_168 = arith.constant 48 : index
      %swap3A_169 = tpu.vector_load %arg5[%swap3A_167, %swap3A_168] {strides = array<i32>} : memref<32x64xf32, #tpu.memory_space<vmem>>, vector<1x16xf32>,
      %swap3A_170 = vector.shape_cast %swap3A_169 : vector<1x16xf32> to vector<16xf32>
      %swap3A_171 = vector.shape_cast %add3A_164 : vector<16xf32> to vector<1x16xf32>
      tpu.vector_store %arg5[%swap3A_167, %swap3A_168], %swap3A_171 {strides = array<i32>} : memref<32x64xf32, #tpu.memory_space<vmem>>, vector<1x16xf32>,
      %add3A_172 = arith.constant 2 : i32
      %add3A_173 = arith.addi %mul3A_13, %add3A_172 : i32
      %get3A_174 = arith.index_cast %add3A_173 : i32 to index
      %get3A_175 = arith.constant 0 : index
      %get3A_176 = tpu.vector_load %arg5[%get3A_174, %get3A_175] {strides = array<i32>} : memref<32x64xf32, #tpu.memory_space<vmem>>, vector<1x16xf32>,
      %get3A_177 = vector.shape_cast %get3A_176 : vector<1x16xf32> to vector<16xf32>
      %add3A_178 = arith.constant 2 : i32
      %add3A_179 = arith.addi %mul3A_13, %add3A_178 : i32
      %get3A_180 = arith.index_cast %add3A_179 : i32 to index
      %get3A_181 = arith.constant 0 : index
      %get3A_182 = tpu.vector_load %arg6[%get3A_180, %get3A_181] {strides = array<i32>} : memref<32x64xf32, #tpu.memory_space<vmem>>, vector<1x16xf32>,
      %get3A_183 = vector.shape_cast %get3A_182 : vector<1x16xf32> to vector<16xf32>
      %add3A_184 = arith.addf %get3A_177, %get3A_183 : vector<16xf32>
      %add3A_185 = arith.constant 2 : i32
      %add3A_186 = arith.addi %mul3A_13, %add3A_185 : i32
      %swap3A_187 = arith.index_cast %add3A_186 : i32 to index
      %swap3A_188 = arith.constant 0 : index
      %swap3A_189 = tpu.vector_load %arg5[%swap3A_187, %swap3A_188] {strides = array<i32>} : memref<32x64xf32, #tpu.memory_space<vmem>>, vector<1x16xf32>,
      %swap3A_190 = vector.shape_cast %swap3A_189 : vector<1x16xf32> to vector<16xf32>
      %swap3A_191 = vector.shape_cast %add3A_184 : vector<16xf32> to vector<1x16xf32>
      tpu.vector_store %arg5[%swap3A_187, %swap3A_188], %swap3A_191 {strides = array<i32>} : memref<32x64xf32, #tpu.memory_space<vmem>>, vector<1x16xf32>,
      %add3A_192 = arith.constant 2 : i32
      %add3A_193 = arith.addi %mul3A_13, %add3A_192 : i32
      %get3A_194 = arith.index_cast %add3A_193 : i32 to index
      %get3A_195 = arith.constant 16 : index
      %get3A_196 = tpu.vector_load %arg5[%get3A_194, %get3A_195] {strides = array<i32>} : memref<32x64xf32, #tpu.memory_space<vmem>>, vector<1x16xf32>,
      %get3A_197 = vector.shape_cast %get3A_196 : vector<1x16xf32> to vector<16xf32>
      %add3A_198 = arith.constant 2 : i32
      %add3A_199 = arith.addi %mul3A_13, %add3A_198 : i32
      %get3A_200 = arith.index_cast %add3A_199 : i32 to index
      %get3A_201 = arith.constant 16 : index
      %get3A_202 = tpu.vector_load %arg6[%get3A_200, %get3A_201] {strides = array<i32>} : memref<32x64xf32, #tpu.memory_space<vmem>>, vector<1x16xf32>,
      %get3A_203 = vector.shape_cast %get3A_202 : vector<1x16xf32> to vector<16xf32>
      %add3A_204 = arith.addf %get3A_197, %get3A_203 : vector<16xf32>
      %add3A_205 = arith.constant 2 : i32
      %add3A_206 = arith.addi %mul3A_13, %add3A_205 : i32
      %swap3A_207 = arith.index_cast %add3A_206 : i32 to index
      %swap3A_208 = arith.constant 16 : index
      %swap3A_209 = tpu.vector_load %arg5[%swap3A_207, %swap3A_208] {strides = array<i32>} : memref<32x64xf32, #tpu.memory_space<vmem>>, vector<1x16xf32>,
      %swap3A_210 = vector.shape_cast %swap3A_209 : vector<1x16xf32> to vector<16xf32>
      %swap3A_211 = vector.shape_cast %add3A_204 : vector<16xf32> to vector<1x16xf32>
      tpu.vector_store %arg5[%swap3A_207, %swap3A_208], %swap3A_211 {strides = array<i32>} : memref<32x64xf32, #tpu.memory_space<vmem>>, vector<1x16xf32>,
      %add3A_212 = arith.constant 2 : i32
      %add3A_213 = arith.addi %mul3A_13, %add3A_212 : i32
      %get3A_214 = arith.index_cast %add3A_213 : i32 to index
      %get3A_215 = arith.constant 32 : index
      %get3A_216 = tpu.vector_load %arg5[%get3A_214, %get3A_215] {strides = array<i32>} : memref<32x64xf32, #tpu.memory_space<vmem>>, vector<1x16xf32>,
      %get3A_217 = vector.shape_cast %get3A_216 : vector<1x16xf32> to vector<16xf32>
      %add3A_218 = arith.constant 2 : i32
      %add3A_219 = arith.addi %mul3A_13, %add3A_218 : i32
      %get3A_220 = arith.index_cast %add3A_219 : i32 to index
      %get3A_221 = arith.constant 32 : index
      %get3A_222 = tpu.vector_load %arg6[%get3A_220, %get3A_221] {strides = array<i32>} : memref<32x64xf32, #tpu.memory_space<vmem>>, vector<1x16xf32>,
      %get3A_223 = vector.shape_cast %get3A_222 : vector<1x16xf32> to vector<16xf32>
      %add3A_224 = arith.addf %get3A_217, %get3A_223 : vector<16xf32>
      %add3A_225 = arith.constant 2 : i32
      %add3A_226 = arith.addi %mul3A_13, %add3A_225 : i32
      %swap3A_227 = arith.index_cast %add3A_226 : i32 to index
      %swap3A_228 = arith.constant 32 : index
      %swap3A_229 = tpu.vector_load %arg5[%swap3A_227, %swap3A_228] {strides = array<i32>} : memref<32x64xf32, #tpu.memory_space<vmem>>, vector<1x16xf32>,
      %swap3A_230 = vector.shape_cast %swap3A_229 : vector<1x16xf32> to vector<16xf32>
      %swap3A_231 = vector.shape_cast %add3A_224 : vector<16xf32> to vector<1x16xf32>
      tpu.vector_store %arg5[%swap3A_227, %swap3A_228], %swap3A_231 {strides = array<i32>} : memref<32x64xf32, #tpu.memory_space<vmem>>, vector<1x16xf32>,
      %add3A_232 = arith.constant 2 : i32
      %add3A_233 = arith.addi %mul3A_13, %add3A_232 : i32
      %get3A_234 = arith.index_cast %add3A_233 : i32 to index
      %get3A_235 = arith.constant 48 : index
      %get3A_236 = tpu.vector_load %arg5[%get3A_234, %get3A_235] {strides = array<i32>} : memref<32x64xf32, #tpu.memory_space<vmem>>, vector<1x16xf32>,
      %get3A_237 = vector.shape_cast %get3A_236 : vector<1x16xf32> to vector<16xf32>
      %add3A_238 = arith.constant 2 : i32
      %add3A_239 = arith.addi %mul3A_13, %add3A_238 : i32
      %get3A_240 = arith.index_cast %add3A_239 : i32 to index
      %get3A_241 = arith.constant 48 : index
      %get3A_242 = tpu.vector_load %arg6[%get3A_240, %get3A_241] {strides = array<i32>} : memref<32x64xf32, #tpu.memory_space<vmem>>, vector<1x16xf32>,
      %get3A_243 = vector.shape_cast %get3A_242 : vector<1x16xf32> to vector<16xf32>
      %add3A_244 = arith.addf %get3A_237, %get3A_243 : vector<16xf32>
      %add3A_245 = arith.constant 2 : i32
      %add3A_246 = arith.addi %mul3A_13, %add3A_245 : i32
      %swap3A_247 = arith.index_cast %add3A_246 : i32 to index
      %swap3A_248 = arith.constant 48 : index
      %swap3A_249 = tpu.vector_load %arg5[%swap3A_247, %swap3A_248] {strides = array<i32>} : memref<32x64xf32, #tpu.memory_space<vmem>>, vector<1x16xf32>,
      %swap3A_250 = vector.shape_cast %swap3A_249 : vector<1x16xf32> to vector<16xf32>
      %swap3A_251 = vector.shape_cast %add3A_244 : vector<16xf32> to vector<1x16xf32>
      tpu.vector_store %arg5[%swap3A_247, %swap3A_248], %swap3A_251 {strides = array<i32>} : memref<32x64xf32, #tpu.memory_space<vmem>>, vector<1x16xf32>,
      %add3A_252 = arith.constant 3 : i32
      %add3A_253 = arith.addi %mul3A_13, %add3A_252 : i32
      %get3A_254 = arith.index_cast %add3A_253 : i32 to index
      %get3A_255 = arith.constant 0 : index
      %get3A_256 = tpu.vector_load %arg5[%get3A_254, %get3A_255] {strides = array<i32>} : memref<32x64xf32, #tpu.memory_space<vmem>>, vector<1x16xf32>,
      %get3A_257 = vector.shape_cast %get3A_256 : vector<1x16xf32> to vector<16xf32>
      %add3A_258 = arith.constant 3 : i32
      %add3A_259 = arith.addi %mul3A_13, %add3A_258 : i32
      %get3A_260 = arith.index_cast %add3A_259 : i32 to index
      %get3A_261 = arith.constant 0 : index
      %get3A_262 = tpu.vector_load %arg6[%get3A_260, %get3A_261] {strides = array<i32>} : memref<32x64xf32, #tpu.memory_space<vmem>>, vector<1x16xf32>,
      %get3A_263 = vector.shape_cast %get3A_262 : vector<1x16xf32> to vector<16xf32>
      %add3A_264 = arith.addf %get3A_257, %get3A_263 : vector<16xf32>
      %add3A_265 = arith.constant 3 : i32
      %add3A_266 = arith.addi %mul3A_13, %add3A_265 : i32
      %swap3A_267 = arith.index_cast %add3A_266 : i32 to index
      %swap3A_268 = arith.constant 0 : index
      %swap3A_269 = tpu.vector_load %arg5[%swap3A_267, %swap3A_268] {strides = array<i32>} : memref<32x64xf32, #tpu.memory_space<vmem>>, vector<1x16xf32>,
      %swap3A_270 = vector.shape_cast %swap3A_269 : vector<1x16xf32> to vector<16xf32>
      %swap3A_271 = vector.shape_cast %add3A_264 : vector<16xf32> to vector<1x16xf32>
      tpu.vector_store %arg5[%swap3A_267, %swap3A_268], %swap3A_271 {strides = array<i32>} : memref<32x64xf32, #tpu.memory_space<vmem>>, vector<1x16xf32>,
      %add3A_272 = arith.constant 3 : i32
      %add3A_273 = arith.addi %mul3A_13, %add3A_272 : i32
      %get3A_274 = arith.index_cast %add3A_273 : i32 to index
      %get3A_275 = arith.constant 16 : index
      %get3A_276 = tpu.vector_load %arg5[%get3A_274, %get3A_275] {strides = array<i32>} : memref<32x64xf32, #tpu.memory_space<vmem>>, vector<1x16xf32>,
      %get3A_277 = vector.shape_cast %get3A_276 : vector<1x16xf32> to vector<16xf32>
      %add3A_278 = arith.constant 3 : i32
      %add3A_279 = arith.addi %mul3A_13, %add3A_278 : i32
      %get3A_280 = arith.index_cast %add3A_279 : i32 to index
      %get3A_281 = arith.constant 16 : index
      %get3A_282 = tpu.vector_load %arg6[%get3A_280, %get3A_281] {strides = array<i32>} : memref<32x64xf32, #tpu.memory_space<vmem>>, vector<1x16xf32>,
      %get3A_283 = vector.shape_cast %get3A_282 : vector<1x16xf32> to vector<16xf32>
      %add3A_284 = arith.addf %get3A_277, %get3A_283 : vector<16xf32>
      %add3A_285 = arith.constant 3 : i32
      %add3A_286 = arith.addi %mul3A_13, %add3A_285 : i32
      %swap3A_287 = arith.index_cast %add3A_286 : i32 to index
      %swap3A_288 = arith.constant 16 : index
      %swap3A_289 = tpu.vector_load %arg5[%swap3A_287, %swap3A_288] {strides = array<i32>} : memref<32x64xf32, #tpu.memory_space<vmem>>, vector<1x16xf32>,
      %swap3A_290 = vector.shape_cast %swap3A_289 : vector<1x16xf32> to vector<16xf32>
      %swap3A_291 = vector.shape_cast %add3A_284 : vector<16xf32> to vector<1x16xf32>
      tpu.vector_store %arg5[%swap3A_287, %swap3A_288], %swap3A_291 {strides = array<i32>} : memref<32x64xf32, #tpu.memory_space<vmem>>, vector<1x16xf32>,
      %add3A_292 = arith.constant 3 : i32
      %add3A_293 = arith.addi %mul3A_13, %add3A_292 : i32
      %get3A_294 = arith.index_cast %add3A_293 : i32 to index
      %get3A_295 = arith.constant 32 : index
      %get3A_296 = tpu.vector_load %arg5[%get3A_294, %get3A_295] {strides = array<i32>} : memref<32x64xf32, #tpu.memory_space<vmem>>, vector<1x16xf32>,
      %get3A_297 = vector.shape_cast %get3A_296 : vector<1x16xf32> to vector<16xf32>
      %add3A_298 = arith.constant 3 : i32
      %add3A_299 = arith.addi %mul3A_13, %add3A_298 : i32
      %get3A_300 = arith.index_cast %add3A_299 : i32 to index
      %get3A_301 = arith.constant 32 : index
      %get3A_302 = tpu.vector_load %arg6[%get3A_300, %get3A_301] {strides = array<i32>} : memref<32x64xf32, #tpu.memory_space<vmem>>, vector<1x16xf32>,
      %get3A_303 = vector.shape_cast %get3A_302 : vector<1x16xf32> to vector<16xf32>
      %add3A_304 = arith.addf %get3A_297, %get3A_303 : vector<16xf32>
      %add3A_305 = arith.constant 3 : i32
      %add3A_306 = arith.addi %mul3A_13, %add3A_305 : i32
      %swap3A_307 = arith.index_cast %add3A_306 : i32 to index
      %swap3A_308 = arith.constant 32 : index
      %swap3A_309 = tpu.vector_load %arg5[%swap3A_307, %swap3A_308] {strides = array<i32>} : memref<32x64xf32, #tpu.memory_space<vmem>>, vector<1x16xf32>,
      %swap3A_310 = vector.shape_cast %swap3A_309 : vector<1x16xf32> to vector<16xf32>
      %swap3A_311 = vector.shape_cast %add3A_304 : vector<16xf32> to vector<1x16xf32>
      tpu.vector_store %arg5[%swap3A_307, %swap3A_308], %swap3A_311 {strides = array<i32>} : memref<32x64xf32, #tpu.memory_space<vmem>>, vector<1x16xf32>,
      %add3A_312 = arith.constant 3 : i32
      %add3A_313 = arith.addi %mul3A_13, %add3A_312 : i32
      %get3A_314 = arith.index_cast %add3A_313 : i32 to index
      %get3A_315 = arith.constant 48 : index
      %get3A_316 = tpu.vector_load %arg5[%get3A_314, %get3A_315] {strides = array<i32>} : memref<32x64xf32, #tpu.memory_space<vmem>>, vector<1x16xf32>,
      %get3A_317 = vector.shape_cast %get3A_316 : vector<1x16xf32> to vector<16xf32>
      %add3A_318 = arith.constant 3 : i32
      %add3A_319 = arith.addi %mul3A_13, %add3A_318 : i32
      %get3A_320 = arith.index_cast %add3A_319 : i32 to index
      %get3A_321 = arith.constant 48 : index
      %get3A_322 = tpu.vector_load %arg6[%get3A_320, %get3A_321] {strides = array<i32>} : memref<32x64xf32, #tpu.memory_space<vmem>>, vector<1x16xf32>,
      %get3A_323 = vector.shape_cast %get3A_322 : vector<1x16xf32> to vector<16xf32>
      %add3A_324 = arith.addf %get3A_317, %get3A_323 : vector<16xf32>
      %add3A_325 = arith.constant 3 : i32
      %add3A_326 = arith.addi %mul3A_13, %add3A_325 : i32
      %swap3A_327 = arith.index_cast %add3A_326 : i32 to index
      %swap3A_328 = arith.constant 48 : index
      %swap3A_329 = tpu.vector_load %arg5[%swap3A_327, %swap3A_328] {strides = array<i32>} : memref<32x64xf32, #tpu.memory_space<vmem>>, vector<1x16xf32>,
      %swap3A_330 = vector.shape_cast %swap3A_329 : vector<1x16xf32> to vector<16xf32>
      %swap3A_331 = vector.shape_cast %add3A_324 : vector<16xf32> to vector<1x16xf32>
      tpu.vector_store %arg5[%swap3A_327, %swap3A_328], %swap3A_331 {strides = array<i32>} : memref<32x64xf32, #tpu.memory_space<vmem>>, vector<1x16xf32>,
      %add3A_332 = arith.constant 4 : i32
      %add3A_333 = arith.addi %mul3A_13, %add3A_332 : i32
      %get3A_334 = arith.index_cast %add3A_333 : i32 to index
      %get3A_335 = arith.constant 0 : index
      %get3A_336 = tpu.vector_load %arg5[%get3A_334, %get3A_335] {strides = array<i32>} : memref<32x64xf32, #tpu.memory_space<vmem>>, vector<1x16xf32>,
      %get3A_337 = vector.shape_cast %get3A_336 : vector<1x16xf32> to vector<16xf32>
      %add3A_338 = arith.constant 4 : i32
      %add3A_339 = arith.addi %mul3A_13, %add3A_338 : i32
      %get3A_340 = arith.index_cast %add3A_339 : i32 to index
      %get3A_341 = arith.constant 0 : index
      %get3A_342 = tpu.vector_load %arg6[%get3A_340, %get3A_341] {strides = array<i32>} : memref<32x64xf32, #tpu.memory_space<vmem>>, vector<1x16xf32>,
      %get3A_343 = vector.shape_cast %get3A_342 : vector<1x16xf32> to vector<16xf32>
      %add3A_344 = arith.addf %get3A_337, %get3A_343 : vector<16xf32>
      %add3A_345 = arith.constant 4 : i32
      %add3A_346 = arith.addi %mul3A_13, %add3A_345 : i32
      %swap3A_347 = arith.index_cast %add3A_346 : i32 to index
      %swap3A_348 = arith.constant 0 : index
      %swap3A_349 = tpu.vector_load %arg5[%swap3A_347, %swap3A_348] {strides = array<i32>} : memref<32x64xf32, #tpu.memory_space<vmem>>, vector<1x16xf32>,
      %swap3A_350 = vector.shape_cast %swap3A_349 : vector<1x16xf32> to vector<16xf32>
      %swap3A_351 = vector.shape_cast %add3A_344 : vector<16xf32> to vector<1x16xf32>
      tpu.vector_store %arg5[%swap3A_347, %swap3A_348], %swap3A_351 {strides = array<i32>} : memref<32x64xf32, #tpu.memory_space<vmem>>, vector<1x16xf32>,
      %add3A_352 = arith.constant 4 : i32
      %add3A_353 = arith.addi %mul3A_13, %add3A_352 : i32
      %get3A_354 = arith.index_cast %add3A_353 : i32 to index
      %get3A_355 = arith.constant 16 : index
      %get3A_356 = tpu.vector_load %arg5[%get3A_354, %get3A_355] {strides = array<i32>} : memref<32x64xf32, #tpu.memory_space<vmem>>, vector<1x16xf32>,
      %get3A_357 = vector.shape_cast %get3A_356 : vector<1x16xf32> to vector<16xf32>
      %add3A_358 = arith.constant 4 : i32
      %add3A_359 = arith.addi %mul3A_13, %add3A_358 : i32
      %get3A_360 = arith.index_cast %add3A_359 : i32 to index
      %get3A_361 = arith.constant 16 : index
      %get3A_362 = tpu.vector_load %arg6[%get3A_360, %get3A_361] {strides = array<i32>} : memref<32x64xf32, #tpu.memory_space<vmem>>, vector<1x16xf32>,
      %get3A_363 = vector.shape_cast %get3A_362 : vector<1x16xf32> to vector<16xf32>
      %add3A_364 = arith.addf %get3A_357, %get3A_363 : vector<16xf32>
      %add3A_365 = arith.constant 4 : i32
      %add3A_366 = arith.addi %mul3A_13, %add3A_365 : i32
      %swap3A_367 = arith.index_cast %add3A_366 : i32 to index
      %swap3A_368 = arith.constant 16 : index
      %swap3A_369 = tpu.vector_load %arg5[%swap3A_367, %swap3A_368] {strides = array<i32>} : memref<32x64xf32, #tpu.memory_space<vmem>>, vector<1x16xf32>,
      %swap3A_370 = vector.shape_cast %swap3A_369 : vector<1x16xf32> to vector<16xf32>
      %swap3A_371 = vector.shape_cast %add3A_364 : vector<16xf32> to vector<1x16xf32>
      tpu.vector_store %arg5[%swap3A_367, %swap3A_368], %swap3A_371 {strides = array<i32>} : memref<32x64xf32, #tpu.memory_space<vmem>>, vector<1x16xf32>,
      %add3A_372 = arith.constant 4 : i32
      %add3A_373 = arith.addi %mul3A_13, %add3A_372 : i32
      %get3A_374 = arith.index_cast %add3A_373 : i32 to index
      %get3A_375 = arith.constant 32 : index
      %get3A_376 = tpu.vector_load %arg5[%get3A_374, %get3A_375] {strides = array<i32>} : memref<32x64xf32, #tpu.memory_space<vmem>>, vector<1x16xf32>,
      %get3A_377 = vector.shape_cast %get3A_376 : vector<1x16xf32> to vector<16xf32>
      %add3A_378 = arith.constant 4 : i32
      %add3A_379 = arith.addi %mul3A_13, %add3A_378 : i32
      %get3A_380 = arith.index_cast %add3A_379 : i32 to index
      %get3A_381 = arith.constant 32 : index
      %get3A_382 = tpu.vector_load %arg6[%get3A_380, %get3A_381] {strides = array<i32>} : memref<32x64xf32, #tpu.memory_space<vmem>>, vector<1x16xf32>,
      %get3A_383 = vector.shape_cast %get3A_382 : vector<1x16xf32> to vector<16xf32>
      %add3A_384 = arith.addf %get3A_377, %get3A_383 : vector<16xf32>
      %add3A_385 = arith.constant 4 : i32
      %add3A_386 = arith.addi %mul3A_13, %add3A_385 : i32
      %swap3A_387 = arith.index_cast %add3A_386 : i32 to index
      %swap3A_388 = arith.constant 32 : index
      %swap3A_389 = tpu.vector_load %arg5[%swap3A_387, %swap3A_388] {strides = array<i32>} : memref<32x64xf32, #tpu.memory_space<vmem>>, vector<1x16xf32>,
      %swap3A_390 = vector.shape_cast %swap3A_389 : vector<1x16xf32> to vector<16xf32>
      %swap3A_391 = vector.shape_cast %add3A_384 : vector<16xf32> to vector<1x16xf32>
      tpu.vector_store %arg5[%swap3A_387, %swap3A_388], %swap3A_391 {strides = array<i32>} : memref<32x64xf32, #tpu.memory_space<vmem>>, vector<1x16xf32>,
      %add3A_392 = arith.constant 4 : i32
      %add3A_393 = arith.addi %mul3A_13, %add3A_392 : i32
      %get3A_394 = arith.index_cast %add3A_393 : i32 to index
      %get3A_395 = arith.constant 48 : index
      %get3A_396 = tpu.vector_load %arg5[%get3A_394, %get3A_395] {strides = array<i32>} : memref<32x64xf32, #tpu.memory_space<vmem>>, vector<1x16xf32>,
      %get3A_397 = vector.shape_cast %get3A_396 : vector<1x16xf32> to vector<16xf32>
      %add3A_398 = arith.constant 4 : i32
      %add3A_399 = arith.addi %mul3A_13, %add3A_398 : i32
      %get3A_400 = arith.index_cast %add3A_399 : i32 to index
      %get3A_401 = arith.constant 48 : index
      %get3A_402 = tpu.vector_load %arg6[%get3A_400, %get3A_401] {strides = array<i32>} : memref<32x64xf32, #tpu.memory_space<vmem>>, vector<1x16xf32>,
      %get3A_403 = vector.shape_cast %get3A_402 : vector<1x16xf32> to vector<16xf32>
      %add3A_404 = arith.addf %get3A_397, %get3A_403 : vector<16xf32>
      %add3A_405 = arith.constant 4 : i32
      %add3A_406 = arith.addi %mul3A_13, %add3A_405 : i32
      %swap3A_407 = arith.index_cast %add3A_406 : i32 to index
      %swap3A_408 = arith.constant 48 : index
      %swap3A_409 = tpu.vector_load %arg5[%swap3A_407, %swap3A_408] {strides = array<i32>} : memref<32x64xf32, #tpu.memory_space<vmem>>, vector<1x16xf32>,
      %swap3A_410 = vector.shape_cast %swap3A_409 : vector<1x16xf32> to vector<16xf32>
      %swap3A_411 = vector.shape_cast %add3A_404 : vector<16xf32> to vector<1x16xf32>
      tpu.vector_store %arg5[%swap3A_407, %swap3A_408], %swap3A_411 {strides = array<i32>} : memref<32x64xf32, #tpu.memory_space<vmem>>, vector<1x16xf32>,
      %add3A_412 = arith.constant 5 : i32
      %add3A_413 = arith.addi %mul3A_13, %add3A_412 : i32
      %get3A_414 = arith.index_cast %add3A_413 : i32 to index
      %get3A_415 = arith.constant 0 : index
      %get3A_416 = tpu.vector_load %arg5[%get3A_414, %get3A_415] {strides = array<i32>} : memref<32x64xf32, #tpu.memory_space<vmem>>, vector<1x16xf32>,
      %get3A_417 = vector.shape_cast %get3A_416 : vector<1x16xf32> to vector<16xf32>
      %add3A_418 = arith.constant 5 : i32
      %add3A_419 = arith.addi %mul3A_13, %add3A_418 : i32
      %get3A_420 = arith.index_cast %add3A_419 : i32 to index
      %get3A_421 = arith.constant 0 : index
      %get3A_422 = tpu.vector_load %arg6[%get3A_420, %get3A_421] {strides = array<i32>} : memref<32x64xf32, #tpu.memory_space<vmem>>, vector<1x16xf32>,
      %get3A_423 = vector.shape_cast %get3A_422 : vector<1x16xf32> to vector<16xf32>
      %add3A_424 = arith.addf %get3A_417, %get3A_423 : vector<16xf32>
      %add3A_425 = arith.constant 5 : i32
      %add3A_426 = arith.addi %mul3A_13, %add3A_425 : i32
      %swap3A_427 = arith.index_cast %add3A_426 : i32 to index
      %swap3A_428 = arith.constant 0 : index
      %swap3A_429 = tpu.vector_load %arg5[%swap3A_427, %swap3A_428] {strides = array<i32>} : memref<32x64xf32, #tpu.memory_space<vmem>>, vector<1x16xf32>,
      %swap3A_430 = vector.shape_cast %swap3A_429 : vector<1x16xf32> to vector<16xf32>
      %swap3A_431 = vector.shape_cast %add3A_424 : vector<16xf32> to vector<1x16xf32>
      tpu.vector_store %arg5[%swap3A_427, %swap3A_428], %swap3A_431 {strides = array<i32>} : memref<32x64xf32, #tpu.memory_space<vmem>>, vector<1x16xf32>,
      %add3A_432 = arith.constant 5 : i32
      %add3A_433 = arith.addi %mul3A_13, %add3A_432 : i32
      %get3A_434 = arith.index_cast %add3A_433 : i32 to index
      %get3A_435 = arith.constant 16 : index
      %get3A_436 = tpu.vector_load %arg5[%get3A_434, %get3A_435] {strides = array<i32>} : memref<32x64xf32, #tpu.memory_space<vmem>>, vector<1x16xf32>,
      %get3A_437 = vector.shape_cast %get3A_436 : vector<1x16xf32> to vector<16xf32>
      %add3A_438 = arith.constant 5 : i32
      %add3A_439 = arith.addi %mul3A_13, %add3A_438 : i32
      %get3A_440 = arith.index_cast %add3A_439 : i32 to index
      %get3A_441 = arith.constant 16 : index
      %get3A_442 = tpu.vector_load %arg6[%get3A_440, %get3A_441] {strides = array<i32>} : memref<32x64xf32, #tpu.memory_space<vmem>>, vector<1x16xf32>,
      %get3A_443 = vector.shape_cast %get3A_442 : vector<1x16xf32> to vector<16xf32>
      %add3A_444 = arith.addf %get3A_437, %get3A_443 : vector<16xf32>
      %add3A_445 = arith.constant 5 : i32
      %add3A_446 = arith.addi %mul3A_13, %add3A_445 : i32
      %swap3A_447 = arith.index_cast %add3A_446 : i32 to index
      %swap3A_448 = arith.constant 16 : index
      %swap3A_449 = tpu.vector_load %arg5[%swap3A_447, %swap3A_448] {strides = array<i32>} : memref<32x64xf32, #tpu.memory_space<vmem>>, vector<1x16xf32>,
      %swap3A_450 = vector.shape_cast %swap3A_449 : vector<1x16xf32> to vector<16xf32>
      %swap3A_451 = vector.shape_cast %add3A_444 : vector<16xf32> to vector<1x16xf32>
      tpu.vector_store %arg5[%swap3A_447, %swap3A_448], %swap3A_451 {strides = array<i32>} : memref<32x64xf32, #tpu.memory_space<vmem>>, vector<1x16xf32>,
      %add3A_452 = arith.constant 5 : i32
      %add3A_453 = arith.addi %mul3A_13, %add3A_452 : i32
      %get3A_454 = arith.index_cast %add3A_453 : i32 to index
      %get3A_455 = arith.constant 32 : index
      %get3A_456 = tpu.vector_load %arg5[%get3A_454, %get3A_455] {strides = array<i32>} : memref<32x64xf32, #tpu.memory_space<vmem>>, vector<1x16xf32>,
      %get3A_457 = vector.shape_cast %get3A_456 : vector<1x16xf32> to vector<16xf32>
      %add3A_458 = arith.constant 5 : i32
      %add3A_459 = arith.addi %mul3A_13, %add3A_458 : i32
      %get3A_460 = arith.index_cast %add3A_459 : i32 to index
      %get3A_461 = arith.constant 32 : index
      %get3A_462 = tpu.vector_load %arg6[%get3A_460, %get3A_461] {strides = array<i32>} : memref<32x64xf32, #tpu.memory_space<vmem>>, vector<1x16xf32>,
      %get3A_463 = vector.shape_cast %get3A_462 : vector<1x16xf32> to vector<16xf32>
      %add3A_464 = arith.addf %get3A_457, %get3A_463 : vector<16xf32>
      %add3A_465 = arith.constant 5 : i32
      %add3A_466 = arith.addi %mul3A_13, %add3A_465 : i32
      %swap3A_467 = arith.index_cast %add3A_466 : i32 to index
      %swap3A_468 = arith.constant 32 : index
      %swap3A_469 = tpu.vector_load %arg5[%swap3A_467, %swap3A_468] {strides = array<i32>} : memref<32x64xf32, #tpu.memory_space<vmem>>, vector<1x16xf32>,
      %swap3A_470 = vector.shape_cast %swap3A_469 : vector<1x16xf32> to vector<16xf32>
      %swap3A_471 = vector.shape_cast %add3A_464 : vector<16xf32> to vector<1x16xf32>
      tpu.vector_store %arg5[%swap3A_467, %swap3A_468], %swap3A_471 {strides = array<i32>} : memref<32x64xf32, #tpu.memory_space<vmem>>, vector<1x16xf32>,
      %add3A_472 = arith.constant 5 : i32
      %add3A_473 = arith.addi %mul3A_13, %add3A_472 : i32
      %get3A_474 = arith.index_cast %add3A_473 : i32 to index
      %get3A_475 = arith.constant 48 : index
      %get3A_476 = tpu.vector_load %arg5[%get3A_474, %get3A_475] {strides = array<i32>} : memref<32x64xf32, #tpu.memory_space<vmem>>, vector<1x16xf32>,
      %get3A_477 = vector.shape_cast %get3A_476 : vector<1x16xf32> to vector<16xf32>
      %add3A_478 = arith.constant 5 : i32
      %add3A_479 = arith.addi %mul3A_13, %add3A_478 : i32
      %get3A_480 = arith.index_cast %add3A_479 : i32 to index
      %get3A_481 = arith.constant 48 : index
      %get3A_482 = tpu.vector_load %arg6[%get3A_480, %get3A_481] {strides = array<i32>} : memref<32x64xf32, #tpu.memory_space<vmem>>, vector<1x16xf32>,
      %get3A_483 = vector.shape_cast %get3A_482 : vector<1x16xf32> to vector<16xf32>
      %add3A_484 = arith.addf %get3A_477, %get3A_483 : vector<16xf32>
      %add3A_485 = arith.constant 5 : i32
      %add3A_486 = arith.addi %mul3A_13, %add3A_485 : i32
      %swap3A_487 = arith.index_cast %add3A_486 : i32 to index
      %swap3A_488 = arith.constant 48 : index
      %swap3A_489 = tpu.vector_load %arg5[%swap3A_487, %swap3A_488] {strides = array<i32>} : memref<32x64xf32, #tpu.memory_space<vmem>>, vector<1x16xf32>,
      %swap3A_490 = vector.shape_cast %swap3A_489 : vector<1x16xf32> to vector<16xf32>
      %swap3A_491 = vector.shape_cast %add3A_484 : vector<16xf32> to vector<1x16xf32>
      tpu.vector_store %arg5[%swap3A_487, %swap3A_488], %swap3A_491 {strides = array<i32>} : memref<32x64xf32, #tpu.memory_space<vmem>>, vector<1x16xf32>,
      %add3A_492 = arith.constant 6 : i32
      %add3A_493 = arith.addi %mul3A_13, %add3A_492 : i32
      %get3A_494 = arith.index_cast %add3A_493 : i32 to index
      %get3A_495 = arith.constant 0 : index
      %get3A_496 = tpu.vector_load %arg5[%get3A_494, %get3A_495] {strides = array<i32>} : memref<32x64xf32, #tpu.memory_space<vmem>>, vector<1x16xf32>,
      %get3A_497 = vector.shape_cast %get3A_496 : vector<1x16xf32> to vector<16xf32>
      %add3A_498 = arith.constant 6 : i32
      %add3A_499 = arith.addi %mul3A_13, %add3A_498 : i32
      %get3A_500 = arith.index_cast %add3A_499 : i32 to index
      %get3A_501 = arith.constant 0 : index
      %get3A_502 = tpu.vector_load %arg6[%get3A_500, %get3A_501] {strides = array<i32>} : memref<32x64xf32, #tpu.memory_space<vmem>>, vector<1x16xf32>,
      %get3A_503 = vector.shape_cast %get3A_502 : vector<1x16xf32> to vector<16xf32>
      %add3A_504 = arith.addf %get3A_497, %get3A_503 : vector<16xf32>
      %add3A_505 = arith.constant 6 : i32
      %add3A_506 = arith.addi %mul3A_13, %add3A_505 : i32
      %swap3A_507 = arith.index_cast %add3A_506 : i32 to index
      %swap3A_508 = arith.constant 0 : index
      %swap3A_509 = tpu.vector_load %arg5[%swap3A_507, %swap3A_508] {strides = array<i32>} : memref<32x64xf32, #tpu.memory_space<vmem>>, vector<1x16xf32>,
      %swap3A_510 = vector.shape_cast %swap3A_509 : vector<1x16xf32> to vector<16xf32>
      %swap3A_511 = vector.shape_cast %add3A_504 : vector<16xf32> to vector<1x16xf32>
      tpu.vector_store %arg5[%swap3A_507, %swap3A_508], %swap3A_511 {strides = array<i32>} : memref<32x64xf32, #tpu.memory_space<vmem>>, vector<1x16xf32>,
      %add3A_512 = arith.constant 6 : i32
      %add3A_513 = arith.addi %mul3A_13, %add3A_512 : i32
      %get3A_514 = arith.index_cast %add3A_513 : i32 to index
      %get3A_515 = arith.constant 16 : index
      %get3A_516 = tpu.vector_load %arg5[%get3A_514, %get3A_515] {strides = array<i32>} : memref<32x64xf32, #tpu.memory_space<vmem>>, vector<1x16xf32>,
      %get3A_517 = vector.shape_cast %get3A_516 : vector<1x16xf32> to vector<16xf32>
      %add3A_518 = arith.constant 6 : i32
      %add3A_519 = arith.addi %mul3A_13, %add3A_518 : i32
      %get3A_520 = arith.index_cast %add3A_519 : i32 to index
      %get3A_521 = arith.constant 16 : index
      %get3A_522 = tpu.vector_load %arg6[%get3A_520, %get3A_521] {strides = array<i32>} : memref<32x64xf32, #tpu.memory_space<vmem>>, vector<1x16xf32>,
      %get3A_523 = vector.shape_cast %get3A_522 : vector<1x16xf32> to vector<16xf32>
      %add3A_524 = arith.addf %get3A_517, %get3A_523 : vector<16xf32>
      %add3A_525 = arith.constant 6 : i32
      %add3A_526 = arith.addi %mul3A_13, %add3A_525 : i32
      %swap3A_527 = arith.index_cast %add3A_526 : i32 to index
      %swap3A_528 = arith.constant 16 : index
      %swap3A_529 = tpu.vector_load %arg5[%swap3A_527, %swap3A_528] {strides = array<i32>} : memref<32x64xf32, #tpu.memory_space<vmem>>, vector<1x16xf32>,
      %swap3A_530 = vector.shape_cast %swap3A_529 : vector<1x16xf32> to vector<16xf32>
      %swap3A_531 = vector.shape_cast %add3A_524 : vector<16xf32> to vector<1x16xf32>
      tpu.vector_store %arg5[%swap3A_527, %swap3A_528], %swap3A_531 {strides = array<i32>} : memref<32x64xf32, #tpu.memory_space<vmem>>, vector<1x16xf32>,
      %add3A_532 = arith.constant 6 : i32
      %add3A_533 = arith.addi %mul3A_13, %add3A_532 : i32
      %get3A_534 = arith.index_cast %add3A_533 : i32 to index
      %get3A_535 = arith.constant 32 : index
      %get3A_536 = tpu.vector_load %arg5[%get3A_534, %get3A_535] {strides = array<i32>} : memref<32x64xf32, #tpu.memory_space<vmem>>, vector<1x16xf32>,
      %get3A_537 = vector.shape_cast %get3A_536 : vector<1x16xf32> to vector<16xf32>
      %add3A_538 = arith.constant 6 : i32
      %add3A_539 = arith.addi %mul3A_13, %add3A_538 : i32
      %get3A_540 = arith.index_cast %add3A_539 : i32 to index
      %get3A_541 = arith.constant 32 : index
      %get3A_542 = tpu.vector_load %arg6[%get3A_540, %get3A_541] {strides = array<i32>} : memref<32x64xf32, #tpu.memory_space<vmem>>, vector<1x16xf32>,
      %get3A_543 = vector.shape_cast %get3A_542 : vector<1x16xf32> to vector<16xf32>
      %add3A_544 = arith.addf %get3A_537, %get3A_543 : vector<16xf32>
      %add3A_545 = arith.constant 6 : i32
      %add3A_546 = arith.addi %mul3A_13, %add3A_545 : i32
      %swap3A_547 = arith.index_cast %add3A_546 : i32 to index
      %swap3A_548 = arith.constant 32 : index
      %swap3A_549 = tpu.vector_load %arg5[%swap3A_547, %swap3A_548] {strides = array<i32>} : memref<32x64xf32, #tpu.memory_space<vmem>>, vector<1x16xf32>,
      %swap3A_550 = vector.shape_cast %swap3A_549 : vector<1x16xf32> to vector<16xf32>
      %swap3A_551 = vector.shape_cast %add3A_544 : vector<16xf32> to vector<1x16xf32>
      tpu.vector_store %arg5[%swap3A_547, %swap3A_548], %swap3A_551 {strides = array<i32>} : memref<32x64xf32, #tpu.memory_space<vmem>>, vector<1x16xf32>,
      %add3A_552 = arith.constant 6 : i32
      %add3A_553 = arith.addi %mul3A_13, %add3A_552 : i32
      %get3A_554 = arith.index_cast %add3A_553 : i32 to index
      %get3A_555 = arith.constant 48 : index
      %get3A_556 = tpu.vector_load %arg5[%get3A_554, %get3A_555] {strides = array<i32>} : memref<32x64xf32, #tpu.memory_space<vmem>>, vector<1x16xf32>,
      %get3A_557 = vector.shape_cast %get3A_556 : vector<1x16xf32> to vector<16xf32>
      %add3A_558 = arith.constant 6 : i32
      %add3A_559 = arith.addi %mul3A_13, %add3A_558 : i32
      %get3A_560 = arith.index_cast %add3A_559 : i32 to index
      %get3A_561 = arith.constant 48 : index
      %get3A_562 = tpu.vector_load %arg6[%get3A_560, %get3A_561] {strides = array<i32>} : memref<32x64xf32, #tpu.memory_space<vmem>>, vector<1x16xf32>,
      %get3A_563 = vector.shape_cast %get3A_562 : vector<1x16xf32> to vector<16xf32>
      %add3A_564 = arith.addf %get3A_557, %get3A_563 : vector<16xf32>
      %add3A_565 = arith.constant 6 : i32
      %add3A_566 = arith.addi %mul3A_13, %add3A_565 : i32
      %swap3A_567 = arith.index_cast %add3A_566 : i32 to index
      %swap3A_568 = arith.constant 48 : index
      %swap3A_569 = tpu.vector_load %arg5[%swap3A_567, %swap3A_568] {strides = array<i32>} : memref<32x64xf32, #tpu.memory_space<vmem>>, vector<1x16xf32>,
      %swap3A_570 = vector.shape_cast %swap3A_569 : vector<1x16xf32> to vector<16xf32>
      %swap3A_571 = vector.shape_cast %add3A_564 : vector<16xf32> to vector<1x16xf32>
      tpu.vector_store %arg5[%swap3A_567, %swap3A_568], %swap3A_571 {strides = array<i32>} : memref<32x64xf32, #tpu.memory_space<vmem>>, vector<1x16xf32>,
      %add3A_572 = arith.constant 7 : i32
      %add3A_573 = arith.addi %mul3A_13, %add3A_572 : i32
      %get3A_574 = arith.index_cast %add3A_573 : i32 to index
      %get3A_575 = arith.constant 0 : index
      %get3A_576 = tpu.vector_load %arg5[%get3A_574, %get3A_575] {strides = array<i32>} : memref<32x64xf32, #tpu.memory_space<vmem>>, vector<1x16xf32>,
      %get3A_577 = vector.shape_cast %get3A_576 : vector<1x16xf32> to vector<16xf32>
      %add3A_578 = arith.constant 7 : i32
      %add3A_579 = arith.addi %mul3A_13, %add3A_578 : i32
      %get3A_580 = arith.index_cast %add3A_579 : i32 to index
      %get3A_581 = arith.constant 0 : index
      %get3A_582 = tpu.vector_load %arg6[%get3A_580, %get3A_581] {strides = array<i32>} : memref<32x64xf32, #tpu.memory_space<vmem>>, vector<1x16xf32>,
      %get3A_583 = vector.shape_cast %get3A_582 : vector<1x16xf32> to vector<16xf32>
      %add3A_584 = arith.addf %get3A_577, %get3A_583 : vector<16xf32>
      %add3A_585 = arith.constant 7 : i32
      %add3A_586 = arith.addi %mul3A_13, %add3A_585 : i32
      %swap3A_587 = arith.index_cast %add3A_586 : i32 to index
      %swap3A_588 = arith.constant 0 : index
      %swap3A_589 = tpu.vector_load %arg5[%swap3A_587, %swap3A_588] {strides = array<i32>} : memref<32x64xf32, #tpu.memory_space<vmem>>, vector<1x16xf32>,
      %swap3A_590 = vector.shape_cast %swap3A_589 : vector<1x16xf32> to vector<16xf32>
      %swap3A_591 = vector.shape_cast %add3A_584 : vector<16xf32> to vector<1x16xf32>
      tpu.vector_store %arg5[%swap3A_587, %swap3A_588], %swap3A_591 {strides = array<i32>} : memref<32x64xf32, #tpu.memory_space<vmem>>, vector<1x16xf32>,
      %add3A_592 = arith.constant 7 : i32
      %add3A_593 = arith.addi %mul3A_13, %add3A_592 : i32
      %get3A_594 = arith.index_cast %add3A_593 : i32 to index
      %get3A_595 = arith.constant 16 : index
      %get3A_596 = tpu.vector_load %arg5[%get3A_594, %get3A_595] {strides = array<i32>} : memref<32x64xf32, #tpu.memory_space<vmem>>, vector<1x16xf32>,
      %get3A_597 = vector.shape_cast %get3A_596 : vector<1x16xf32> to vector<16xf32>
      %add3A_598 = arith.constant 7 : i32
      %add3A_599 = arith.addi %mul3A_13, %add3A_598 : i32
      %get3A_600 = arith.index_cast %add3A_599 : i32 to index
      %get3A_601 = arith.constant 16 : index
      %get3A_602 = tpu.vector_load %arg6[%get3A_600, %get3A_601] {strides = array<i32>} : memref<32x64xf32, #tpu.memory_space<vmem>>, vector<1x16xf32>,
      %get3A_603 = vector.shape_cast %get3A_602 : vector<1x16xf32> to vector<16xf32>
      %add3A_604 = arith.addf %get3A_597, %get3A_603 : vector<16xf32>
      %add3A_605 = arith.constant 7 : i32
      %add3A_606 = arith.addi %mul3A_13, %add3A_605 : i32
      %swap3A_607 = arith.index_cast %add3A_606 : i32 to index
      %swap3A_608 = arith.constant 16 : index
      %swap3A_609 = tpu.vector_load %arg5[%swap3A_607, %swap3A_608] {strides = array<i32>} : memref<32x64xf32, #tpu.memory_space<vmem>>, vector<1x16xf32>,
      %swap3A_610 = vector.shape_cast %swap3A_609 : vector<1x16xf32> to vector<16xf32>
      %swap3A_611 = vector.shape_cast %add3A_604 : vector<16xf32> to vector<1x16xf32>
      tpu.vector_store %arg5[%swap3A_607, %swap3A_608], %swap3A_611 {strides = array<i32>} : memref<32x64xf32, #tpu.memory_space<vmem>>, vector<1x16xf32>,
      %add3A_612 = arith.constant 7 : i32
      %add3A_613 = arith.addi %mul3A_13, %add3A_612 : i32
      %get3A_614 = arith.index_cast %add3A_613 : i32 to index
      %get3A_615 = arith.constant 32 : index
      %get3A_616 = tpu.vector_load %arg5[%get3A_614, %get3A_615] {strides = array<i32>} : memref<32x64xf32, #tpu.memory_space<vmem>>, vector<1x16xf32>,
      %get3A_617 = vector.shape_cast %get3A_616 : vector<1x16xf32> to vector<16xf32>
      %add3A_618 = arith.constant 7 : i32
      %add3A_619 = arith.addi %mul3A_13, %add3A_618 : i32
      %get3A_620 = arith.index_cast %add3A_619 : i32 to index
      %get3A_621 = arith.constant 32 : index
      %get3A_622 = tpu.vector_load %arg6[%get3A_620, %get3A_621] {strides = array<i32>} : memref<32x64xf32, #tpu.memory_space<vmem>>, vector<1x16xf32>,
      %get3A_623 = vector.shape_cast %get3A_622 : vector<1x16xf32> to vector<16xf32>
      %add3A_624 = arith.addf %get3A_617, %get3A_623 : vector<16xf32>
      %add3A_625 = arith.constant 7 : i32
      %add3A_626 = arith.addi %mul3A_13, %add3A_625 : i32
      %swap3A_627 = arith.index_cast %add3A_626 : i32 to index
      %swap3A_628 = arith.constant 32 : index
      %swap3A_629 = tpu.vector_load %arg5[%swap3A_627, %swap3A_628] {strides = array<i32>} : memref<32x64xf32, #tpu.memory_space<vmem>>, vector<1x16xf32>,
      %swap3A_630 = vector.shape_cast %swap3A_629 : vector<1x16xf32> to vector<16xf32>
      %swap3A_631 = vector.shape_cast %add3A_624 : vector<16xf32> to vector<1x16xf32>
      tpu.vector_store %arg5[%swap3A_627, %swap3A_628], %swap3A_631 {strides = array<i32>} : memref<32x64xf32, #tpu.memory_space<vmem>>, vector<1x16xf32>,
      %add3A_632 = arith.constant 7 : i32
      %add3A_633 = arith.addi %mul3A_13, %add3A_632 : i32
      %get3A_634 = arith.index_cast %add3A_633 : i32 to index
      %get3A_635 = arith.constant 48 : index
      %get3A_636 = tpu.vector_load %arg5[%get3A_634, %get3A_635] {strides = array<i32>} : memref<32x64xf32, #tpu.memory_space<vmem>>, vector<1x16xf32>,
      %get3A_637 = vector.shape_cast %get3A_636 : vector<1x16xf32> to vector<16xf32>
      %add3A_638 = arith.constant 7 : i32
      %add3A_639 = arith.addi %mul3A_13, %add3A_638 : i32
      %get3A_640 = arith.index_cast %add3A_639 : i32 to index
      %get3A_641 = arith.constant 48 : index
      %get3A_642 = tpu.vector_load %arg6[%get3A_640, %get3A_641] {strides = array<i32>} : memref<32x64xf32, #tpu.memory_space<vmem>>, vector<1x16xf32>,
      %get3A_643 = vector.shape_cast %get3A_642 : vector<1x16xf32> to vector<16xf32>
      %add3A_644 = arith.addf %get3A_637, %get3A_643 : vector<16xf32>
      %add3A_645 = arith.constant 7 : i32
      %add3A_646 = arith.addi %mul3A_13, %add3A_645 : i32
      %swap3A_647 = arith.index_cast %add3A_646 : i32 to index
      %swap3A_648 = arith.constant 48 : index
      %swap3A_649 = tpu.vector_load %arg5[%swap3A_647, %swap3A_648] {strides = array<i32>} : memref<32x64xf32, #tpu.memory_space<vmem>>, vector<1x16xf32>,
      %swap3A_650 = vector.shape_cast %swap3A_649 : vector<1x16xf32> to vector<16xf32>
      %swap3A_651 = vector.shape_cast %add3A_644 : vector<16xf32> to vector<1x16xf32>
      tpu.vector_store %arg5[%swap3A_647, %swap3A_648], %swap3A_651 {strides = array<i32>} : memref<32x64xf32, #tpu.memory_space<vmem>>, vector<1x16xf32>,
      %scan3A_652 = arith.constant 0 : i32
      scf.yield %scan3A_652 : i32
    }
    %scan3A_9 = arith.constant 4 : i32
    "tpu.region"() ({
      %run_scoped3A = tpu.sem_alloc : memref<!tpu.dma_semaphore, #tpu.memory_space<semaphore_mem>>
      %dma_start3A = arith.constant 0 : i32
      %dma_start3A_10 = tpu.memref_slice %arg4[%multiple_of3A, %dma_start3A] : memref<1000x64xf32, #tpu.memory_space<hbm>> -> memref<32x64xf32, #tpu.memory_space<hbm>>
      %dma_start3A_11 = arith.constant 0 : i32
      %dma_start3A_12 = tpu.memref_slice %arg4[%multiple_of3A, %dma_start3A_11] : memref<1000x64xf32, #tpu.memory_space<hbm>> -> memref<32x64xf32, #tpu.memory_space<hbm>>
      tpu.enqueue_dma source(%arg5 : memref<32x64xf32, #tpu.memory_space<vmem>>) target(%dma_start3A_12 : memref<32x64xf32, #tpu.memory_space<hbm>>) target_semaphore(%run_scoped3A : memref<!tpu.dma_semaphore, #tpu.memory_space<semaphore_mem>>)
      %dma_wait3A = arith.constant 0 : i32
      %dma_wait3A_13 = tpu.memref_slice %arg4[%multiple_of3A, %dma_wait3A] : memref<1000x64xf32, #tpu.memory_space<hbm>> -> memref<32x64xf32, #tpu.memory_space<hbm>>
      %dma_wait3A_14 = arith.constant 0 : i32
      %dma_wait3A_15 = tpu.memref_slice %arg4[%multiple_of3A, %dma_wait3A_14] : memref<1000x64xf32, #tpu.memory_space<hbm>> -> memref<32x64xf32, #tpu.memory_space<hbm>>
      tpu.wait_dma2 semaphore(%run_scoped3A : memref<!tpu.dma_semaphore, #tpu.memory_space<semaphore_mem>>) src(%arg5 : memref<32x64xf32, #tpu.memory_space<vmem>>) dst(%dma_wait3A_15 : memref<32x64xf32, #tpu.memory_space<hbm>>)
      tpu.yield
    }) : () -> ()
    return
  }
}

module attributes {stable_mosaic.version = 14 : i64} {
  func.func @_tc_ent_body(%arg0: memref<50000x128xf32, #tpu.memory_space<any>>, %arg1: memref<50000x128xf32, #tpu.memory_space<any>>, %arg2: memref<50000x128xf32, #tpu.memory_space<any>>, %arg3: memref<4x2500x128xf32, #tpu.memory_space<vmem>>, %arg4: memref<4x2500x128xf32, #tpu.memory_space<vmem>>, %arg5: memref<4x2500x128xf32, #tpu.memory_space<vmem>>, %arg6: memref<4x!tpu.dma_semaphore, #tpu.memory_space<semaphore_mem>>, %arg7: memref<4x!tpu.dma_semaphore, #tpu.memory_space<semaphore_mem>>) attributes {dimension_semantics = [], scalar_prefetch = 0 : i64, scratch_operands = 5 : i64, tpu.core_type = #tpu.core_type<tc>} {
    %dma_start3A = arith.constant 0 : i32
    %dma_start3A_0 = arith.constant 0 : i32
    %dma_start3A_1 = tpu.memref_slice %arg6[%dma_start3A_0] : memref<4x!tpu.dma_semaphore, #tpu.memory_space<semaphore_mem>> -> memref<1x!tpu.dma_semaphore, #tpu.memory_space<semaphore_mem>>
    %dma_start3A_2 = tpu.memref_squeeze %dma_start3A_1 : memref<1x!tpu.dma_semaphore, #tpu.memory_space<semaphore_mem>> -> memref<!tpu.dma_semaphore, #tpu.memory_space<semaphore_mem>>
    %dma_start3A_3 = arith.constant 0 : i32
    %dma_start3A_4 = arith.constant 0 : i32
    %dma_start3A_5 = tpu.memref_slice %arg3[%dma_start3A, %dma_start3A_3, %dma_start3A_4] : memref<4x2500x128xf32, #tpu.memory_space<vmem>> -> memref<1x2500x128xf32, #tpu.memory_space<vmem>>
    %dma_start3A_6 = tpu.memref_squeeze %dma_start3A_5 : memref<1x2500x128xf32, #tpu.memory_space<vmem>> -> memref<2500x128xf32, #tpu.memory_space<vmem>>
    %dma_start3A_7 = arith.constant 0 : i32
    %dma_start3A_8 = arith.constant 0 : i32
    %dma_start3A_9 = tpu.memref_slice %arg0[%dma_start3A_7, %dma_start3A_8] : memref<50000x128xf32, #tpu.memory_space<any>> -> memref<2500x128xf32, #tpu.memory_space<any>>
    tpu.enqueue_dma source(%dma_start3A_9 : memref<2500x128xf32, #tpu.memory_space<any>>) target(%dma_start3A_6 : memref<2500x128xf32, #tpu.memory_space<vmem>>) target_semaphore(%dma_start3A_2 : memref<!tpu.dma_semaphore, #tpu.memory_space<semaphore_mem>>)
    %dma_start3A_10 = arith.constant 0 : i32
    %dma_start3A_11 = arith.constant 0 : i32
    %dma_start3A_12 = tpu.memref_slice %arg6[%dma_start3A_11] : memref<4x!tpu.dma_semaphore, #tpu.memory_space<semaphore_mem>> -> memref<1x!tpu.dma_semaphore, #tpu.memory_space<semaphore_mem>>
    %dma_start3A_13 = tpu.memref_squeeze %dma_start3A_12 : memref<1x!tpu.dma_semaphore, #tpu.memory_space<semaphore_mem>> -> memref<!tpu.dma_semaphore, #tpu.memory_space<semaphore_mem>>
    %dma_start3A_14 = arith.constant 0 : i32
    %dma_start3A_15 = arith.constant 0 : i32
    %dma_start3A_16 = tpu.memref_slice %arg4[%dma_start3A_10, %dma_start3A_14, %dma_start3A_15] : memref<4x2500x128xf32, #tpu.memory_space<vmem>> -> memref<1x2500x128xf32, #tpu.memory_space<vmem>>
    %dma_start3A_17 = tpu.memref_squeeze %dma_start3A_16 : memref<1x2500x128xf32, #tpu.memory_space<vmem>> -> memref<2500x128xf32, #tpu.memory_space<vmem>>
    %dma_start3A_18 = arith.constant 0 : i32
    %dma_start3A_19 = arith.constant 0 : i32
    %dma_start3A_20 = tpu.memref_slice %arg1[%dma_start3A_18, %dma_start3A_19] : memref<50000x128xf32, #tpu.memory_space<any>> -> memref<2500x128xf32, #tpu.memory_space<any>>
    tpu.enqueue_dma source(%dma_start3A_20 : memref<2500x128xf32, #tpu.memory_space<any>>) target(%dma_start3A_17 : memref<2500x128xf32, #tpu.memory_space<vmem>>) target_semaphore(%dma_start3A_13 : memref<!tpu.dma_semaphore, #tpu.memory_space<semaphore_mem>>)
    %dma_start3A_21 = arith.constant 1 : i32
    %dma_start3A_22 = arith.constant 1 : i32
    %dma_start3A_23 = tpu.memref_slice %arg6[%dma_start3A_22] : memref<4x!tpu.dma_semaphore, #tpu.memory_space<semaphore_mem>> -> memref<1x!tpu.dma_semaphore, #tpu.memory_space<semaphore_mem>>
    %dma_start3A_24 = tpu.memref_squeeze %dma_start3A_23 : memref<1x!tpu.dma_semaphore, #tpu.memory_space<semaphore_mem>> -> memref<!tpu.dma_semaphore, #tpu.memory_space<semaphore_mem>>
    %dma_start3A_25 = arith.constant 0 : i32
    %dma_start3A_26 = arith.constant 0 : i32
    %dma_start3A_27 = tpu.memref_slice %arg3[%dma_start3A_21, %dma_start3A_25, %dma_start3A_26] : memref<4x2500x128xf32, #tpu.memory_space<vmem>> -> memref<1x2500x128xf32, #tpu.memory_space<vmem>>
    %dma_start3A_28 = tpu.memref_squeeze %dma_start3A_27 : memref<1x2500x128xf32, #tpu.memory_space<vmem>> -> memref<2500x128xf32, #tpu.memory_space<vmem>>
    %dma_start3A_29 = arith.constant 2500 : i32
    %dma_start3A_30 = arith.constant 0 : i32
    %dma_start3A_31 = tpu.memref_slice %arg0[%dma_start3A_29, %dma_start3A_30] : memref<50000x128xf32, #tpu.memory_space<any>> -> memref<2500x128xf32, #tpu.memory_space<any>>
    tpu.enqueue_dma source(%dma_start3A_31 : memref<2500x128xf32, #tpu.memory_space<any>>) target(%dma_start3A_28 : memref<2500x128xf32, #tpu.memory_space<vmem>>) target_semaphore(%dma_start3A_24 : memref<!tpu.dma_semaphore, #tpu.memory_space<semaphore_mem>>)
    %dma_start3A_32 = arith.constant 1 : i32
    %dma_start3A_33 = arith.constant 1 : i32
    %dma_start3A_34 = tpu.memref_slice %arg6[%dma_start3A_33] : memref<4x!tpu.dma_semaphore, #tpu.memory_space<semaphore_mem>> -> memref<1x!tpu.dma_semaphore, #tpu.memory_space<semaphore_mem>>
    %dma_start3A_35 = tpu.memref_squeeze %dma_start3A_34 : memref<1x!tpu.dma_semaphore, #tpu.memory_space<semaphore_mem>> -> memref<!tpu.dma_semaphore, #tpu.memory_space<semaphore_mem>>
    %dma_start3A_36 = arith.constant 0 : i32
    %dma_start3A_37 = arith.constant 0 : i32
    %dma_start3A_38 = tpu.memref_slice %arg4[%dma_start3A_32, %dma_start3A_36, %dma_start3A_37] : memref<4x2500x128xf32, #tpu.memory_space<vmem>> -> memref<1x2500x128xf32, #tpu.memory_space<vmem>>
    %dma_start3A_39 = tpu.memref_squeeze %dma_start3A_38 : memref<1x2500x128xf32, #tpu.memory_space<vmem>> -> memref<2500x128xf32, #tpu.memory_space<vmem>>
    %dma_start3A_40 = arith.constant 2500 : i32
    %dma_start3A_41 = arith.constant 0 : i32
    %dma_start3A_42 = tpu.memref_slice %arg1[%dma_start3A_40, %dma_start3A_41] : memref<50000x128xf32, #tpu.memory_space<any>> -> memref<2500x128xf32, #tpu.memory_space<any>>
    tpu.enqueue_dma source(%dma_start3A_42 : memref<2500x128xf32, #tpu.memory_space<any>>) target(%dma_start3A_39 : memref<2500x128xf32, #tpu.memory_space<vmem>>) target_semaphore(%dma_start3A_35 : memref<!tpu.dma_semaphore, #tpu.memory_space<semaphore_mem>>)
    %dma_start3A_43 = arith.constant 2 : i32
    %dma_start3A_44 = arith.constant 2 : i32
    %dma_start3A_45 = tpu.memref_slice %arg6[%dma_start3A_44] : memref<4x!tpu.dma_semaphore, #tpu.memory_space<semaphore_mem>> -> memref<1x!tpu.dma_semaphore, #tpu.memory_space<semaphore_mem>>
    %dma_start3A_46 = tpu.memref_squeeze %dma_start3A_45 : memref<1x!tpu.dma_semaphore, #tpu.memory_space<semaphore_mem>> -> memref<!tpu.dma_semaphore, #tpu.memory_space<semaphore_mem>>
    %dma_start3A_47 = arith.constant 0 : i32
    %dma_start3A_48 = arith.constant 0 : i32
    %dma_start3A_49 = tpu.memref_slice %arg3[%dma_start3A_43, %dma_start3A_47, %dma_start3A_48] : memref<4x2500x128xf32, #tpu.memory_space<vmem>> -> memref<1x2500x128xf32, #tpu.memory_space<vmem>>
    %dma_start3A_50 = tpu.memref_squeeze %dma_start3A_49 : memref<1x2500x128xf32, #tpu.memory_space<vmem>> -> memref<2500x128xf32, #tpu.memory_space<vmem>>
    %dma_start3A_51 = arith.constant 5000 : i32
    %dma_start3A_52 = arith.constant 0 : i32
    %dma_start3A_53 = tpu.memref_slice %arg0[%dma_start3A_51, %dma_start3A_52] : memref<50000x128xf32, #tpu.memory_space<any>> -> memref<2500x128xf32, #tpu.memory_space<any>>
    tpu.enqueue_dma source(%dma_start3A_53 : memref<2500x128xf32, #tpu.memory_space<any>>) target(%dma_start3A_50 : memref<2500x128xf32, #tpu.memory_space<vmem>>) target_semaphore(%dma_start3A_46 : memref<!tpu.dma_semaphore, #tpu.memory_space<semaphore_mem>>)
    %dma_start3A_54 = arith.constant 2 : i32
    %dma_start3A_55 = arith.constant 2 : i32
    %dma_start3A_56 = tpu.memref_slice %arg6[%dma_start3A_55] : memref<4x!tpu.dma_semaphore, #tpu.memory_space<semaphore_mem>> -> memref<1x!tpu.dma_semaphore, #tpu.memory_space<semaphore_mem>>
    %dma_start3A_57 = tpu.memref_squeeze %dma_start3A_56 : memref<1x!tpu.dma_semaphore, #tpu.memory_space<semaphore_mem>> -> memref<!tpu.dma_semaphore, #tpu.memory_space<semaphore_mem>>
    %dma_start3A_58 = arith.constant 0 : i32
    %dma_start3A_59 = arith.constant 0 : i32
    %dma_start3A_60 = tpu.memref_slice %arg4[%dma_start3A_54, %dma_start3A_58, %dma_start3A_59] : memref<4x2500x128xf32, #tpu.memory_space<vmem>> -> memref<1x2500x128xf32, #tpu.memory_space<vmem>>
    %dma_start3A_61 = tpu.memref_squeeze %dma_start3A_60 : memref<1x2500x128xf32, #tpu.memory_space<vmem>> -> memref<2500x128xf32, #tpu.memory_space<vmem>>
    %dma_start3A_62 = arith.constant 5000 : i32
    %dma_start3A_63 = arith.constant 0 : i32
    %dma_start3A_64 = tpu.memref_slice %arg1[%dma_start3A_62, %dma_start3A_63] : memref<50000x128xf32, #tpu.memory_space<any>> -> memref<2500x128xf32, #tpu.memory_space<any>>
    tpu.enqueue_dma source(%dma_start3A_64 : memref<2500x128xf32, #tpu.memory_space<any>>) target(%dma_start3A_61 : memref<2500x128xf32, #tpu.memory_space<vmem>>) target_semaphore(%dma_start3A_57 : memref<!tpu.dma_semaphore, #tpu.memory_space<semaphore_mem>>)
    %dma_start3A_65 = arith.constant 3 : i32
    %dma_start3A_66 = arith.constant 3 : i32
    %dma_start3A_67 = tpu.memref_slice %arg6[%dma_start3A_66] : memref<4x!tpu.dma_semaphore, #tpu.memory_space<semaphore_mem>> -> memref<1x!tpu.dma_semaphore, #tpu.memory_space<semaphore_mem>>
    %dma_start3A_68 = tpu.memref_squeeze %dma_start3A_67 : memref<1x!tpu.dma_semaphore, #tpu.memory_space<semaphore_mem>> -> memref<!tpu.dma_semaphore, #tpu.memory_space<semaphore_mem>>
    %dma_start3A_69 = arith.constant 0 : i32
    %dma_start3A_70 = arith.constant 0 : i32
    %dma_start3A_71 = tpu.memref_slice %arg3[%dma_start3A_65, %dma_start3A_69, %dma_start3A_70] : memref<4x2500x128xf32, #tpu.memory_space<vmem>> -> memref<1x2500x128xf32, #tpu.memory_space<vmem>>
    %dma_start3A_72 = tpu.memref_squeeze %dma_start3A_71 : memref<1x2500x128xf32, #tpu.memory_space<vmem>> -> memref<2500x128xf32, #tpu.memory_space<vmem>>
    %dma_start3A_73 = arith.constant 7500 : i32
    %dma_start3A_74 = arith.constant 0 : i32
    %dma_start3A_75 = tpu.memref_slice %arg0[%dma_start3A_73, %dma_start3A_74] : memref<50000x128xf32, #tpu.memory_space<any>> -> memref<2500x128xf32, #tpu.memory_space<any>>
    tpu.enqueue_dma source(%dma_start3A_75 : memref<2500x128xf32, #tpu.memory_space<any>>) target(%dma_start3A_72 : memref<2500x128xf32, #tpu.memory_space<vmem>>) target_semaphore(%dma_start3A_68 : memref<!tpu.dma_semaphore, #tpu.memory_space<semaphore_mem>>)
    %dma_start3A_76 = arith.constant 3 : i32
    %dma_start3A_77 = arith.constant 3 : i32
    %dma_start3A_78 = tpu.memref_slice %arg6[%dma_start3A_77] : memref<4x!tpu.dma_semaphore, #tpu.memory_space<semaphore_mem>> -> memref<1x!tpu.dma_semaphore, #tpu.memory_space<semaphore_mem>>
    %dma_start3A_79 = tpu.memref_squeeze %dma_start3A_78 : memref<1x!tpu.dma_semaphore, #tpu.memory_space<semaphore_mem>> -> memref<!tpu.dma_semaphore, #tpu.memory_space<semaphore_mem>>
    %dma_start3A_80 = arith.constant 0 : i32
    %dma_start3A_81 = arith.constant 0 : i32
    %dma_start3A_82 = tpu.memref_slice %arg4[%dma_start3A_76, %dma_start3A_80, %dma_start3A_81] : memref<4x2500x128xf32, #tpu.memory_space<vmem>> -> memref<1x2500x128xf32, #tpu.memory_space<vmem>>
    %dma_start3A_83 = tpu.memref_squeeze %dma_start3A_82 : memref<1x2500x128xf32, #tpu.memory_space<vmem>> -> memref<2500x128xf32, #tpu.memory_space<vmem>>
    %dma_start3A_84 = arith.constant 7500 : i32
    %dma_start3A_85 = arith.constant 0 : i32
    %dma_start3A_86 = tpu.memref_slice %arg1[%dma_start3A_84, %dma_start3A_85] : memref<50000x128xf32, #tpu.memory_space<any>> -> memref<2500x128xf32, #tpu.memory_space<any>>
    tpu.enqueue_dma source(%dma_start3A_86 : memref<2500x128xf32, #tpu.memory_space<any>>) target(%dma_start3A_83 : memref<2500x128xf32, #tpu.memory_space<vmem>>) target_semaphore(%dma_start3A_79 : memref<!tpu.dma_semaphore, #tpu.memory_space<semaphore_mem>>)
    %scan3A = arith.constant 0 : i32
    %scan3A_87 = arith.constant 20 : i32
    %scan3A_88 = arith.addi %scan3A, %scan3A_87 : i32
    %scan3A_89 = arith.constant 1 : i32
    scf.for %scan3A_134 = %scan3A to %scan3A_88 step %scan3A_89  : i32 {
      %rem3A = arith.constant 4 : i32
      %rem3A_135 = arith.remsi %scan3A_134, %rem3A : i32
      %mul3A = arith.constant 2500 : i32
      %mul3A_136 = arith.muli %scan3A_134, %mul3A : i32
      %dma_wait3A_137 = tpu.memref_slice %arg6[%rem3A_135] : memref<4x!tpu.dma_semaphore, #tpu.memory_space<semaphore_mem>> -> memref<1x!tpu.dma_semaphore, #tpu.memory_space<semaphore_mem>>
      %dma_wait3A_138 = tpu.memref_squeeze %dma_wait3A_137 : memref<1x!tpu.dma_semaphore, #tpu.memory_space<semaphore_mem>> -> memref<!tpu.dma_semaphore, #tpu.memory_space<semaphore_mem>>
      %dma_wait3A_139 = arith.constant 0 : i32
      %dma_wait3A_140 = arith.constant 0 : i32
      %dma_wait3A_141 = tpu.memref_slice %arg3[%rem3A_135, %dma_wait3A_139, %dma_wait3A_140] : memref<4x2500x128xf32, #tpu.memory_space<vmem>> -> memref<1x2500x128xf32, #tpu.memory_space<vmem>>
      %dma_wait3A_142 = tpu.memref_squeeze %dma_wait3A_141 : memref<1x2500x128xf32, #tpu.memory_space<vmem>> -> memref<2500x128xf32, #tpu.memory_space<vmem>>
      %dma_wait3A_143 = arith.constant 0 : i32
      %dma_wait3A_144 = tpu.memref_slice %arg0[%mul3A_136, %dma_wait3A_143] : memref<50000x128xf32, #tpu.memory_space<any>> -> memref<2500x128xf32, #tpu.memory_space<any>>
      tpu.wait_dma2 semaphore(%dma_wait3A_138 : memref<!tpu.dma_semaphore, #tpu.memory_space<semaphore_mem>>) src(%dma_wait3A_144 : memref<2500x128xf32, #tpu.memory_space<any>>) dst(%dma_wait3A_142 : memref<2500x128xf32, #tpu.memory_space<vmem>>)
      %dma_wait3A_145 = tpu.memref_slice %arg6[%rem3A_135] : memref<4x!tpu.dma_semaphore, #tpu.memory_space<semaphore_mem>> -> memref<1x!tpu.dma_semaphore, #tpu.memory_space<semaphore_mem>>
      %dma_wait3A_146 = tpu.memref_squeeze %dma_wait3A_145 : memref<1x!tpu.dma_semaphore, #tpu.memory_space<semaphore_mem>> -> memref<!tpu.dma_semaphore, #tpu.memory_space<semaphore_mem>>
      %dma_wait3A_147 = arith.constant 0 : i32
      %dma_wait3A_148 = arith.constant 0 : i32
      %dma_wait3A_149 = tpu.memref_slice %arg4[%rem3A_135, %dma_wait3A_147, %dma_wait3A_148] : memref<4x2500x128xf32, #tpu.memory_space<vmem>> -> memref<1x2500x128xf32, #tpu.memory_space<vmem>>
      %dma_wait3A_150 = tpu.memref_squeeze %dma_wait3A_149 : memref<1x2500x128xf32, #tpu.memory_space<vmem>> -> memref<2500x128xf32, #tpu.memory_space<vmem>>
      %dma_wait3A_151 = arith.constant 0 : i32
      %dma_wait3A_152 = tpu.memref_slice %arg1[%mul3A_136, %dma_wait3A_151] : memref<50000x128xf32, #tpu.memory_space<any>> -> memref<2500x128xf32, #tpu.memory_space<any>>
      tpu.wait_dma2 semaphore(%dma_wait3A_146 : memref<!tpu.dma_semaphore, #tpu.memory_space<semaphore_mem>>) src(%dma_wait3A_152 : memref<2500x128xf32, #tpu.memory_space<any>>) dst(%dma_wait3A_150 : memref<2500x128xf32, #tpu.memory_space<vmem>>)
      %ge3A = arith.constant 4 : i32
      %ge3A_153 = arith.cmpi sge, %scan3A_134, %ge3A : i32
      %convert_element_type3A = arith.extui %ge3A_153 : i1 to i32
      %cond3A = arith.constant 0 : i32
      %cond3A_154 = arith.cmpi ne, %convert_element_type3A, %cond3A : i32
      scf.if %cond3A_154 {
        %sub3A = arith.constant 4 : i32
        %sub3A_185 = arith.subi %scan3A_134, %sub3A : i32
        %mul3A_186 = arith.constant 2500 : i32
        %mul3A_187 = arith.muli %sub3A_185, %mul3A_186 : i32
        %dma_wait3A_188 = tpu.memref_slice %arg7[%rem3A_135] : memref<4x!tpu.dma_semaphore, #tpu.memory_space<semaphore_mem>> -> memref<1x!tpu.dma_semaphore, #tpu.memory_space<semaphore_mem>>
        %dma_wait3A_189 = tpu.memref_squeeze %dma_wait3A_188 : memref<1x!tpu.dma_semaphore, #tpu.memory_space<semaphore_mem>> -> memref<!tpu.dma_semaphore, #tpu.memory_space<semaphore_mem>>
        %dma_wait3A_190 = arith.constant 0 : i32
        %dma_wait3A_191 = tpu.memref_slice %arg2[%mul3A_187, %dma_wait3A_190] : memref<50000x128xf32, #tpu.memory_space<any>> -> memref<2500x128xf32, #tpu.memory_space<any>>
        %dma_wait3A_192 = arith.constant 0 : i32
        %dma_wait3A_193 = arith.constant 0 : i32
        %dma_wait3A_194 = tpu.memref_slice %arg5[%rem3A_135, %dma_wait3A_192, %dma_wait3A_193] : memref<4x2500x128xf32, #tpu.memory_space<vmem>> -> memref<1x2500x128xf32, #tpu.memory_space<vmem>>
        %dma_wait3A_195 = tpu.memref_squeeze %dma_wait3A_194 : memref<1x2500x128xf32, #tpu.memory_space<vmem>> -> memref<2500x128xf32, #tpu.memory_space<vmem>>
        tpu.wait_dma2 semaphore(%dma_wait3A_189 : memref<!tpu.dma_semaphore, #tpu.memory_space<semaphore_mem>>) src(%dma_wait3A_195 : memref<2500x128xf32, #tpu.memory_space<vmem>>) dst(%dma_wait3A_191 : memref<2500x128xf32, #tpu.memory_space<any>>)
      } else {
      }
      %get3A = arith.index_cast %rem3A_135 : i32 to index
      %get3A_155 = arith.constant 0 : index
      %get3A_156 = arith.constant 0 : index
      %get3A_157 = vector.load %arg3[%get3A, %get3A_155, %get3A_156] : memref<4x2500x128xf32, #tpu.memory_space<vmem>>, vector<1x2500x128xf32>
      %get3A_158 = vector.shape_cast %get3A_157 : vector<1x2500x128xf32> to vector<2500x128xf32>
      %get3A_159 = arith.index_cast %rem3A_135 : i32 to index
      %get3A_160 = arith.constant 0 : index
      %get3A_161 = arith.constant 0 : index
      %get3A_162 = vector.load %arg4[%get3A_159, %get3A_160, %get3A_161] : memref<4x2500x128xf32, #tpu.memory_space<vmem>>, vector<1x2500x128xf32>
      %get3A_163 = vector.shape_cast %get3A_162 : vector<1x2500x128xf32> to vector<2500x128xf32>
      %add3A = arith.addf %get3A_158, %get3A_163 : vector<2500x128xf32>
      %swap3A = arith.index_cast %rem3A_135 : i32 to index
      %swap3A_164 = arith.constant 0 : index
      %swap3A_165 = arith.constant 0 : index
      %swap3A_166 = vector.load %arg5[%swap3A, %swap3A_164, %swap3A_165] : memref<4x2500x128xf32, #tpu.memory_space<vmem>>, vector<1x2500x128xf32>
      %swap3A_167 = vector.shape_cast %swap3A_166 : vector<1x2500x128xf32> to vector<2500x128xf32>
      %swap3A_168 = vector.shape_cast %add3A : vector<2500x128xf32> to vector<1x2500x128xf32>
      tpu.vector_store %arg5[%swap3A, %swap3A_164, %swap3A_165], %swap3A_168 {strides = array<i32>} : memref<4x2500x128xf32, #tpu.memory_space<vmem>>, vector<1x2500x128xf32>,
      %mul3A_169 = arith.constant 2500 : i32
      %mul3A_170 = arith.muli %scan3A_134, %mul3A_169 : i32
      %dma_start3A_171 = tpu.memref_slice %arg7[%rem3A_135] : memref<4x!tpu.dma_semaphore, #tpu.memory_space<semaphore_mem>> -> memref<1x!tpu.dma_semaphore, #tpu.memory_space<semaphore_mem>>
      %dma_start3A_172 = tpu.memref_squeeze %dma_start3A_171 : memref<1x!tpu.dma_semaphore, #tpu.memory_space<semaphore_mem>> -> memref<!tpu.dma_semaphore, #tpu.memory_space<semaphore_mem>>
      %dma_start3A_173 = arith.constant 0 : i32
      %dma_start3A_174 = tpu.memref_slice %arg2[%mul3A_170, %dma_start3A_173] : memref<50000x128xf32, #tpu.memory_space<any>> -> memref<2500x128xf32, #tpu.memory_space<any>>
      %dma_start3A_175 = arith.constant 0 : i32
      %dma_start3A_176 = arith.constant 0 : i32
      %dma_start3A_177 = tpu.memref_slice %arg5[%rem3A_135, %dma_start3A_175, %dma_start3A_176] : memref<4x2500x128xf32, #tpu.memory_space<vmem>> -> memref<1x2500x128xf32, #tpu.memory_space<vmem>>
      %dma_start3A_178 = tpu.memref_squeeze %dma_start3A_177 : memref<1x2500x128xf32, #tpu.memory_space<vmem>> -> memref<2500x128xf32, #tpu.memory_space<vmem>>
      tpu.enqueue_dma source(%dma_start3A_178 : memref<2500x128xf32, #tpu.memory_space<vmem>>) target(%dma_start3A_174 : memref<2500x128xf32, #tpu.memory_space<any>>) target_semaphore(%dma_start3A_172 : memref<!tpu.dma_semaphore, #tpu.memory_space<semaphore_mem>>)
      %add3A_179 = arith.constant 4 : i32
      %add3A_180 = arith.addi %scan3A_134, %add3A_179 : i32
      %lt3A = arith.constant 20 : i32
      %lt3A_181 = arith.cmpi slt, %add3A_180, %lt3A : i32
      %convert_element_type3A_182 = arith.extui %lt3A_181 : i1 to i32
      %cond3A_183 = arith.constant 0 : i32
      %cond3A_184 = arith.cmpi ne, %convert_element_type3A_182, %cond3A_183 : i32
      scf.if %cond3A_184 {
        %add3A_185 = arith.constant 4 : i32
        %add3A_186 = arith.addi %scan3A_134, %add3A_185 : i32
        %mul3A_187 = arith.constant 2500 : i32
        %mul3A_188 = arith.muli %add3A_186, %mul3A_187 : i32
        %dma_start3A_189 = tpu.memref_slice %arg6[%rem3A_135] : memref<4x!tpu.dma_semaphore, #tpu.memory_space<semaphore_mem>> -> memref<1x!tpu.dma_semaphore, #tpu.memory_space<semaphore_mem>>
        %dma_start3A_190 = tpu.memref_squeeze %dma_start3A_189 : memref<1x!tpu.dma_semaphore, #tpu.memory_space<semaphore_mem>> -> memref<!tpu.dma_semaphore, #tpu.memory_space<semaphore_mem>>
        %dma_start3A_191 = arith.constant 0 : i32
        %dma_start3A_192 = arith.constant 0 : i32
        %dma_start3A_193 = tpu.memref_slice %arg3[%rem3A_135, %dma_start3A_191, %dma_start3A_192] : memref<4x2500x128xf32, #tpu.memory_space<vmem>> -> memref<1x2500x128xf32, #tpu.memory_space<vmem>>
        %dma_start3A_194 = tpu.memref_squeeze %dma_start3A_193 : memref<1x2500x128xf32, #tpu.memory_space<vmem>> -> memref<2500x128xf32, #tpu.memory_space<vmem>>
        %dma_start3A_195 = arith.constant 0 : i32
        %dma_start3A_196 = tpu.memref_slice %arg0[%mul3A_188, %dma_start3A_195] : memref<50000x128xf32, #tpu.memory_space<any>> -> memref<2500x128xf32, #tpu.memory_space<any>>
        tpu.enqueue_dma source(%dma_start3A_196 : memref<2500x128xf32, #tpu.memory_space<any>>) target(%dma_start3A_194 : memref<2500x128xf32, #tpu.memory_space<vmem>>) target_semaphore(%dma_start3A_190 : memref<!tpu.dma_semaphore, #tpu.memory_space<semaphore_mem>>)
        %dma_start3A_197 = tpu.memref_slice %arg6[%rem3A_135] : memref<4x!tpu.dma_semaphore, #tpu.memory_space<semaphore_mem>> -> memref<1x!tpu.dma_semaphore, #tpu.memory_space<semaphore_mem>>
        %dma_start3A_198 = tpu.memref_squeeze %dma_start3A_197 : memref<1x!tpu.dma_semaphore, #tpu.memory_space<semaphore_mem>> -> memref<!tpu.dma_semaphore, #tpu.memory_space<semaphore_mem>>
        %dma_start3A_199 = arith.constant 0 : i32
        %dma_start3A_200 = arith.constant 0 : i32
        %dma_start3A_201 = tpu.memref_slice %arg4[%rem3A_135, %dma_start3A_199, %dma_start3A_200] : memref<4x2500x128xf32, #tpu.memory_space<vmem>> -> memref<1x2500x128xf32, #tpu.memory_space<vmem>>
        %dma_start3A_202 = tpu.memref_squeeze %dma_start3A_201 : memref<1x2500x128xf32, #tpu.memory_space<vmem>> -> memref<2500x128xf32, #tpu.memory_space<vmem>>
        %dma_start3A_203 = arith.constant 0 : i32
        %dma_start3A_204 = tpu.memref_slice %arg1[%mul3A_188, %dma_start3A_203] : memref<50000x128xf32, #tpu.memory_space<any>> -> memref<2500x128xf32, #tpu.memory_space<any>>
        tpu.enqueue_dma source(%dma_start3A_204 : memref<2500x128xf32, #tpu.memory_space<any>>) target(%dma_start3A_202 : memref<2500x128xf32, #tpu.memory_space<vmem>>) target_semaphore(%dma_start3A_198 : memref<!tpu.dma_semaphore, #tpu.memory_space<semaphore_mem>>)
      } else {
      }
    }
    %scan3A_90 = arith.constant 20 : i32
    %dma_wait3A = arith.constant 0 : i32
    %dma_wait3A_91 = arith.constant 0 : i32
    %dma_wait3A_92 = tpu.memref_slice %arg7[%dma_wait3A_91] : memref<4x!tpu.dma_semaphore, #tpu.memory_space<semaphore_mem>> -> memref<1x!tpu.dma_semaphore, #tpu.memory_space<semaphore_mem>>
    %dma_wait3A_93 = tpu.memref_squeeze %dma_wait3A_92 : memref<1x!tpu.dma_semaphore, #tpu.memory_space<semaphore_mem>> -> memref<!tpu.dma_semaphore, #tpu.memory_space<semaphore_mem>>
    %dma_wait3A_94 = arith.constant 40000 : i32
    %dma_wait3A_95 = arith.constant 0 : i32
    %dma_wait3A_96 = tpu.memref_slice %arg2[%dma_wait3A_94, %dma_wait3A_95] : memref<50000x128xf32, #tpu.memory_space<any>> -> memref<2500x128xf32, #tpu.memory_space<any>>
    %dma_wait3A_97 = arith.constant 0 : i32
    %dma_wait3A_98 = arith.constant 0 : i32
    %dma_wait3A_99 = tpu.memref_slice %arg5[%dma_wait3A, %dma_wait3A_97, %dma_wait3A_98] : memref<4x2500x128xf32, #tpu.memory_space<vmem>> -> memref<1x2500x128xf32, #tpu.memory_space<vmem>>
    %dma_wait3A_100 = tpu.memref_squeeze %dma_wait3A_99 : memref<1x2500x128xf32, #tpu.memory_space<vmem>> -> memref<2500x128xf32, #tpu.memory_space<vmem>>
    tpu.wait_dma2 semaphore(%dma_wait3A_93 : memref<!tpu.dma_semaphore, #tpu.memory_space<semaphore_mem>>) src(%dma_wait3A_100 : memref<2500x128xf32, #tpu.memory_space<vmem>>) dst(%dma_wait3A_96 : memref<2500x128xf32, #tpu.memory_space<any>>)
    %dma_wait3A_101 = arith.constant 1 : i32
    %dma_wait3A_102 = arith.constant 1 : i32
    %dma_wait3A_103 = tpu.memref_slice %arg7[%dma_wait3A_102] : memref<4x!tpu.dma_semaphore, #tpu.memory_space<semaphore_mem>> -> memref<1x!tpu.dma_semaphore, #tpu.memory_space<semaphore_mem>>
    %dma_wait3A_104 = tpu.memref_squeeze %dma_wait3A_103 : memref<1x!tpu.dma_semaphore, #tpu.memory_space<semaphore_mem>> -> memref<!tpu.dma_semaphore, #tpu.memory_space<semaphore_mem>>
    %dma_wait3A_105 = arith.constant 42500 : i32
    %dma_wait3A_106 = arith.constant 0 : i32
    %dma_wait3A_107 = tpu.memref_slice %arg2[%dma_wait3A_105, %dma_wait3A_106] : memref<50000x128xf32, #tpu.memory_space<any>> -> memref<2500x128xf32, #tpu.memory_space<any>>
    %dma_wait3A_108 = arith.constant 0 : i32
    %dma_wait3A_109 = arith.constant 0 : i32
    %dma_wait3A_110 = tpu.memref_slice %arg5[%dma_wait3A_101, %dma_wait3A_108, %dma_wait3A_109] : memref<4x2500x128xf32, #tpu.memory_space<vmem>> -> memref<1x2500x128xf32, #tpu.memory_space<vmem>>
    %dma_wait3A_111 = tpu.memref_squeeze %dma_wait3A_110 : memref<1x2500x128xf32, #tpu.memory_space<vmem>> -> memref<2500x128xf32, #tpu.memory_space<vmem>>
    tpu.wait_dma2 semaphore(%dma_wait3A_104 : memref<!tpu.dma_semaphore, #tpu.memory_space<semaphore_mem>>) src(%dma_wait3A_111 : memref<2500x128xf32, #tpu.memory_space<vmem>>) dst(%dma_wait3A_107 : memref<2500x128xf32, #tpu.memory_space<any>>)
    %dma_wait3A_112 = arith.constant 2 : i32
    %dma_wait3A_113 = arith.constant 2 : i32
    %dma_wait3A_114 = tpu.memref_slice %arg7[%dma_wait3A_113] : memref<4x!tpu.dma_semaphore, #tpu.memory_space<semaphore_mem>> -> memref<1x!tpu.dma_semaphore, #tpu.memory_space<semaphore_mem>>
    %dma_wait3A_115 = tpu.memref_squeeze %dma_wait3A_114 : memref<1x!tpu.dma_semaphore, #tpu.memory_space<semaphore_mem>> -> memref<!tpu.dma_semaphore, #tpu.memory_space<semaphore_mem>>
    %dma_wait3A_116 = arith.constant 45000 : i32
    %dma_wait3A_117 = arith.constant 0 : i32
    %dma_wait3A_118 = tpu.memref_slice %arg2[%dma_wait3A_116, %dma_wait3A_117] : memref<50000x128xf32, #tpu.memory_space<any>> -> memref<2500x128xf32, #tpu.memory_space<any>>
    %dma_wait3A_119 = arith.constant 0 : i32
    %dma_wait3A_120 = arith.constant 0 : i32
    %dma_wait3A_121 = tpu.memref_slice %arg5[%dma_wait3A_112, %dma_wait3A_119, %dma_wait3A_120] : memref<4x2500x128xf32, #tpu.memory_space<vmem>> -> memref<1x2500x128xf32, #tpu.memory_space<vmem>>
    %dma_wait3A_122 = tpu.memref_squeeze %dma_wait3A_121 : memref<1x2500x128xf32, #tpu.memory_space<vmem>> -> memref<2500x128xf32, #tpu.memory_space<vmem>>
    tpu.wait_dma2 semaphore(%dma_wait3A_115 : memref<!tpu.dma_semaphore, #tpu.memory_space<semaphore_mem>>) src(%dma_wait3A_122 : memref<2500x128xf32, #tpu.memory_space<vmem>>) dst(%dma_wait3A_118 : memref<2500x128xf32, #tpu.memory_space<any>>)
    %dma_wait3A_123 = arith.constant 3 : i32
    %dma_wait3A_124 = arith.constant 3 : i32
    %dma_wait3A_125 = tpu.memref_slice %arg7[%dma_wait3A_124] : memref<4x!tpu.dma_semaphore, #tpu.memory_space<semaphore_mem>> -> memref<1x!tpu.dma_semaphore, #tpu.memory_space<semaphore_mem>>
    %dma_wait3A_126 = tpu.memref_squeeze %dma_wait3A_125 : memref<1x!tpu.dma_semaphore, #tpu.memory_space<semaphore_mem>> -> memref<!tpu.dma_semaphore, #tpu.memory_space<semaphore_mem>>
    %dma_wait3A_127 = arith.constant 47500 : i32
    %dma_wait3A_128 = arith.constant 0 : i32
    %dma_wait3A_129 = tpu.memref_slice %arg2[%dma_wait3A_127, %dma_wait3A_128] : memref<50000x128xf32, #tpu.memory_space<any>> -> memref<2500x128xf32, #tpu.memory_space<any>>
    %dma_wait3A_130 = arith.constant 0 : i32
    %dma_wait3A_131 = arith.constant 0 : i32
    %dma_wait3A_132 = tpu.memref_slice %arg5[%dma_wait3A_123, %dma_wait3A_130, %dma_wait3A_131] : memref<4x2500x128xf32, #tpu.memory_space<vmem>> -> memref<1x2500x128xf32, #tpu.memory_space<vmem>>
    %dma_wait3A_133 = tpu.memref_squeeze %dma_wait3A_132 : memref<1x2500x128xf32, #tpu.memory_space<vmem>> -> memref<2500x128xf32, #tpu.memory_space<vmem>>
    tpu.wait_dma2 semaphore(%dma_wait3A_126 : memref<!tpu.dma_semaphore, #tpu.memory_space<semaphore_mem>>) src(%dma_wait3A_133 : memref<2500x128xf32, #tpu.memory_space<vmem>>) dst(%dma_wait3A_129 : memref<2500x128xf32, #tpu.memory_space<any>>)
    return
  }
}

</mosaic_0001>

<sc_bundles>
// kernel: kernel.4.cloned.1.call-start
scs
__scs_entry_jumppad:
0x0: {  	(pc) =	sbr.rel $0x88, $3  }
0x1: {  	(tag) =	ssettag $0x0;
	lr =	simm.s32 $0x1  }
0x2: {  	[smem:$0x3F9D] =	sst lr;
	_ =	strace $0xD0000000  }
0x3: {  	_ = 	snop  }
0x4: {  	_ = 	snop  }
0x5: {  	_ = 	snop  }
0x6: {  	_ = 	snop  }
0x7: {  	_ = 	snop  }
__scs_overlays_trampoline_lowered:
0x8: {  	[smem:$0x3FAC] =	sst s0  }
0x9: {  	[smem:$0x3FAD] =	sst s1  }
0xa: {  	[smem:$0x3FAE] =	sst s2  }
0xb: {  	[smem:$0x3FAF] =	sst s3  }
0xc: {  	[smem:$0x3FB0] =	sst s4  }
0xd: {  	[smem:$0x3FB1] =	sst s5  }
0xe: {  	[smem:$0x3FB2] =	sst s6  }
0xf: {  	[smem:$0x3FB3] =	sst s7  }
0x10: {  	[smem:$0x3FB4] =	sst s8  }
0x11: {  	[smem:$0x3FB5] =	sst s9;
	s0 =	simm.s32 @!p0 $0x0  }
0x12: {  	s1 =	sld [smem:$0x3F9B];
	s0 =	simm.s32 @p0 $0x1  }
0x13: {  	[smem:$0x3FB6] =	sst s0;
	s0 =	simm.s32 @!p1 $0x0  }
0x14: {  	s2 =	sld [smem:$0x3F9A];
	s0 =	simm.s32 @p1 $0x1  }
0x15: {  	[smem:$0x3FB7] =	sst s0;
	s0 =	simm.s32 @!p2 $0x0  }
0x16: {  	s3 =	sld [smem:$0x3FDB];
	s0 =	simm.s32 @p2 $0x1  }
0x17: {  	s4 =	simm.s32 $0x1BF5;
	[smem:$0x3FB9] =	sst s0  }
0x18: {  	s0 =	sld [smem:$0x3F9C];
	_ =	swait.ge [sflag:s4], $0x0  }
0x19: {  	s7 =	sld [smem:$0x3F9D]  }
0x1a: {  	s8 =	sadd.s32 $0xFFFFE003, lr  }
0x1b: {  	s9 =	sadd.s32 $0xFFFFFEF7, lr;
	s5 =	simm.s32 $0xFFFFFFFF;
	p2 =	slt.u32 s8, $0xFFFFF086  }
0x1c: {  	p1 =	slt.u32 s9, $0xF7A;
	s5 =	simm.s32 @!p2 $0x0  }
0x1d: {  	s5 =	simm.s32 @p1 $0x1;
	p0 =	seq.s32 s7, s2  }
0x1e: {  	s7 =	smul.u32 @!p0 $0xF7A, s2;
	p2 =	seq.s32 @!p0 s5, $0x0  }
0x1f: {  	s9 =	smul.u32 $0xF7A, s1;
	s8 =	simm.s32 @!p0 $0x1BF5;
	p2 =	por !p2, p0  }
0x20: {  	[sflag:s8] =	ssyncset.s32 @!p0 $0xFFFFF086;
	s6 =	sadd.s32 @!p0 s3, s7;
	s7 =	simm.s32 @!p0 $0x108  }
0x21: {  	s3 =	sadd.s32 s3, s9;
	s6 =	sadd.s32 @!p0 $0x88, s6;
	s7 =	simm.s32 @p2 $0x1082  }
0x22: {  	[simem:s7], [sflag:s8] =	dma.local @!p0 [hbm:s6], $0xF7A  }
0x23: {  	s9 =	sor.u32 $0xD0000000, s2;
	s6 =	simm.s32 $0x108;
	_ =	swait.ge @!p0 [sflag:s8], $0x0  }
0x24: {  	s3 =	sadd.s32 $0x88, s3;
	s6 =	simm.s32 @!p1 $0x1082;
	[sflag:s4] =	ssyncset.s32 $0xFFFFF086  }
0x25: {  	[simem:s6], [sflag:s4] =	dma.local [hbm:s3], $0xF7A  }
0x26: {  	[smem:$0x3F9D] =	sst s1;
	(tag) =	ssettag s2;
	_ =	strace s9  }
0x27: {  	s1 =	sld [smem:$0x3FAD]  }
0x28: {  	s2 =	sld [smem:$0x3FAE]  }
0x29: {  	s4 =	sld [smem:$0x3FB0]  }
0x2a: {  	p0 =	seq.s32 s5, $0x0;
	s5 =	sld [smem:$0x3FB1]  }
0x2b: {  	s6 =	sld [smem:$0x3FB2]  }
0x2c: {  	s7 =	sld [smem:$0x3FB3]  }
0x2d: {  	s3 =	simm.s32 $0x108;
	s8 =	sld [smem:$0x3FB4]  }
0x2e: {  	s3 =	simm.s32 @!p0 $0x1082;
	s9 =	sld [smem:$0x3FB5]  }
0x2f: {  	lr =	sadd.s32 s0, s3;
	s0 =	sld [smem:$0x3FAC]  }
0x30: {  	s3 =	sld [smem:$0x3FAF]  }
0x31: {  	[smem:$0x3FB8] =	sst s10  }
0x32: {  	s10 =	sld [smem:$0x3FB6];
	_ =	sdelay $0x3  }
0x33: {  	p0 =	seq.s32 s10, $0x1;
	s10 =	sld [smem:$0x3FB8];
	_ =	sdelay $0x3  }
0x34: {  	[smem:$0x3FB8] =	sst s10  }
0x35: {  	s10 =	sld [smem:$0x3FB7];
	_ =	sdelay $0x3  }
0x36: {  	p1 =	seq.s32 s10, $0x1;
	s10 =	sld [smem:$0x3FB8];
	_ =	sdelay $0x3  }
0x37: {  	[smem:$0x3FB8] =	sst s10  }
0x38: {  	s10 =	sld [smem:$0x3FB9]  }
0x39: {  	_ = 	snop;
	(pc) =	sbr.ind lr, $3  }
0x3a: {  	_ = 	snop  }
0x3b: {  	_ = 	snop  }
0x3c: {  	p2 =	seq.s32 s10, $0x1;
	s10 =	sld [smem:$0x3FB8]  }
0x3d: {  	_ =	shalt  }
0x3e: {  	_ =	shalt  }
0x3f: {  	_ =	shalt  }
0x40: {  	_ =	shalt  }
0x41: {  	_ =	shalt  }
0x42: {  	_ =	shalt  }
0x43: {  	_ =	shalt  }
0x44: {  	_ =	shalt  }
0x45: {  	_ =	shalt  }
0x46: {  	_ =	shalt  }
0x47: {  	_ =	shalt  }
0x48: {  	_ =	shalt  }
0x49: {  	_ =	shalt  }
0x4a: {  	_ =	shalt  }
0x4b: {  	_ =	shalt  }
0x4c: {  	_ =	shalt  }
0x4d: {  	_ =	shalt  }
0x4e: {  	_ =	shalt  }
0x4f: {  	_ =	shalt  }
0x50: {  	_ =	shalt  }
0x51: {  	_ =	shalt  }
0x52: {  	_ =	shalt  }
0x53: {  	_ =	shalt  }
0x54: {  	_ =	shalt  }
0x55: {  	_ =	shalt  }
0x56: {  	_ =	shalt  }
0x57: {  	_ =	shalt  }
0x58: {  	_ =	shalt  }
0x59: {  	_ =	shalt  }
0x5a: {  	_ =	shalt  }
0x5b: {  	_ =	shalt  }
0x5c: {  	_ =	shalt  }
0x5d: {  	_ =	shalt  }
0x5e: {  	_ =	shalt  }
0x5f: {  	_ =	shalt  }
0x60: {  	_ =	shalt  }
0x61: {  	_ =	shalt  }
0x62: {  	_ =	shalt  }
0x63: {  	_ =	shalt  }
0x64: {  	_ =	shalt  }
0x65: {  	_ =	shalt  }
0x66: {  	_ =	shalt  }
0x67: {  	_ =	shalt  }
0x68: {  	_ =	shalt  }
0x69: {  	_ =	shalt  }
0x6a: {  	_ =	shalt  }
0x6b: {  	_ =	shalt  }
0x6c: {  	_ =	shalt  }
0x6d: {  	_ =	shalt  }
0x6e: {  	_ =	shalt  }
0x6f: {  	_ =	shalt  }
0x70: {  	_ =	shalt  }
0x71: {  	_ =	shalt  }
0x72: {  	_ =	shalt  }
0x73: {  	_ =	shalt  }
0x74: {  	_ =	shalt  }
0x75: {  	_ =	shalt  }
0x76: {  	_ =	shalt  }
0x77: {  	_ =	shalt  }
0x78: {  	_ =	shalt  }
0x79: {  	_ =	shalt  }
0x7a: {  	_ =	shalt  }
0x7b: {  	_ =	shalt  }
0x7c: {  	_ =	shalt  }
0x7d: {  	_ =	shalt  }
0x7e: {  	_ =	shalt  }
0x7f: {  	_ =	shalt  }
0x80: {  	_ =	shalt  }
0x81: {  	_ =	shalt  }
0x82: {  	_ =	shalt  }
0x83: {  	_ =	shalt  }
0x84: {  	_ =	shalt  }
0x85: {  	_ =	shalt  }
0x86: {  	_ =	shalt  }
0x87: {  	_ =	shalt  }
.Lfunc_end0:
.L_simem_size_0:
called_computation_lowered:
.L_overlay_start_0:
0x88: {  	s2 =	sld [smem:$0x3FD9]  }
0x89: {  	s3 =	sld [smem:$0x3FFE];
	_ =	sdelay $0x1  }
0x8a: {  	s1 =	srdreg.scid  }
0x8b: {  	s0 =	sand.u32 $0x1, s1  }
0x8c: {  	s16 =	sshll.u32 s0, $0xA;
	s2 =	sadd.s32 s3, s2  }
0x8d: {  	s2 =	sadd.s32 s2, s16  }
0x8e: {  	[smem:$0x3FC4] =	sst s2  }
0x8f: {  	_ = 	snop  }
0x90: {  	(tm) =	ssettm $0x1  }
0x91: {  	s17 =	sld [smem:$0x3FFB];
	_ =	sdelay $0x3  }
0x92: {  	_ =	strace s17  }
0x93: {  	s2 =	sld [smem:$0x3FFC];
	_ =	sdelay $0x3  }
0x94: {  	_ =	strace s2  }
0x95: {  	s2 =	sld [smem:$0x3FFD];
	_ =	sdelay $0x3  }
0x96: {  	_ =	strace s2  }
0x97: {  	_ =	strace $0x8FFFFFFF  }
0x98: {  	s18 =	sld [smem:$0x3FDB];
	_ =	sdelay $0x1  }
0x99: {  	s19 =	simm.s32 $_scs_section_size  }
0x9a: {  	s4 =	simm.s32 $_size__tile_overlayer_lowered;
	s5 =	simm.s32 $_tile_overlayer_lowered  }
0x9b: {  	s22 =	simm.s32 $0x1BFF;
	s21 =	sshll.u32 s5, $0x1;
	s2 =	sadd.s32 s19, s18  }
0x9c: {  	s6 =	simm.s32 $0x0;
	s20 =	sshll.u32 s4, $0x1;
	s4 =	sadd.s32 s21, s2  }
0x9d: {  	[timem:s6], [sflag:s22] =	dma.local [hbm:s4], s20  }
0x9e: {  	_ =	swait.ge [sflag:s22], s20  }
0x9f: {  	s3 =	ssub.s32 $0x0, s20;
	[sflag:s22] =	ssyncset.done $0x0  }
0xa0: {  	[sflag:s22] =	ssyncadd.s32 s3;
	_ =	sdelay $0x1  }
0xa1: {  	s23 =	simm.s32 $0x1B8B  }
0xa2: {  	_ =	swait.ge [sflag:s23], $0x1  }
0xa3: {  	[sflag:s23] =	ssyncset.done $0x0  }
0xa4: {  	s25 =	simm.s32 $0x1B8E;
	s24 =	sld [smem:$0x3FFE];
	[sflag:s23] =	ssyncadd.s32 $0xFFFFFFFF  }
0xa5: {  	s26 =	simm.s32 $execute0_lowered;
	[smem:$0x3FD2] =	sst s25  }
0xa6: {  	s4 =	sshll.u32 s26, $0x1;
	_ =	strace $0x80000046;
	[dreg:$0x1] =	wrdreg $0xFFFFFFFF  }
0xa7: {  	s28 =	simm.s32 $_size_execute0_lowered;
	s2 =	sadd.s32 s2, s4;
	[dreg:$0x0] =	wrdreg $0x0  }
0xa8: {  	s4 =	sshll.u32 s28, $0x1;
	[dreg:$0x2] =	wrdreg s2  }
0xa9: {  	[dreg:$0x3] =	wrdreg s4  }
0xaa: {  	[dreg:$0x4] =	wrdreg $0xC0  }
0xab: {  	_ =	task [dreg:s6], $0x5FFFF  }
0xac: {  	[dreg:$0x1] =	wrdreg $0xFFFFFFFF  }
0xad: {  	[dreg:$0x0] =	wrdreg $0x60  }
0xae: {  	[dreg:$0x2] =	wrdreg s24  }
0xaf: {  	[dreg:$0x3] =	wrdreg $0x9  }
0xb0: {  	_ =	task.clear_ibuf [dreg:s6], $0x4FFFF;
	_ =	strace $0x90000046  }
0xb1: {  	s29 =	simm.s32 $0x9;
	_ =	strace $0x80000048  }
0xb2: {  	_ =	swait.ge [sflag:s29], $0x1  }
0xb3: {  	[sflag:s29] =	ssyncadd.s32 $0xFFFFFFFF  }
0xb4: {  	_ =	strace $0x90000048  }
0xb5: {  	_ =	sfence  }
0xb6: {  	s30 =	sld [smem:$0x0];
	_ =	sdelay $0x2  }
0xb7: {  	s31 =	sshll.u32 s1, $0xD;
	s1 =	sshrl.u32 s1, $0x2  }
0xb8: {  	s3 =	sand.u32 $0x4000, s31;
	s1 =	sadd.s32 s1, s30  }
0xb9: {  	s0 =	sor.u32 s3, s0;
	s1 =	sshll.u32 s1, $0x11  }
0xba: {  	s0 =	sor.u32 s1, s0  }
0xbb: {  	s0 =	sadd.s32 $0x8F2B, s0  }
0xbc: {  	[sflag:s0] =	ssyncadd.remote.s32 $0x1  }
0xbd: {  	_ =	sfence.sel $0xFFFF  }
0xbe: {  	[dreg:$0x0] =	wrdreg $0xFFFFFFFF;
	(pc) =	sbr.abs _section_cstart, $3  }
0xbf: {  	[dreg:$0x1] =	wrdreg $0xFFFFFFFF  }
0xc0: {  	_ =	task.clear_ibuf [dreg:s6], $0x2FFFF;
	_ =	strace $0x9FFFFFFF  }
0xc1: {  	(tm) =	ssettm $0x7FFFFFFF  }
tec
execute0_lowered:
.L_overlay_start_1:
0x0: {  	(tag) =	ssettag $0x1  }
0x1: {  	s1 =	srdreg.scid  }
0x2: {  	s0 =	stileid.u32;
	s4 =	rddreg [dreg:$0x0]  }
0x3: {  	s7 =	simm.s32 $0x1;
	s8 =	simm.s32 $0x1000;
	s3 =	sand.u32 $0x1, s1  }
0x4: {  	s9 =	simm.s32 $0x0;
	s30 =	sshll.u32 s0, $0x6;
	s2 =	sshll.u32 s3, $0x5  }
0x5: {  	s1 =	rddreg [dreg:$0x1];
	s3 =	ssub.s32 $0x2, s3;
	s2 =	sor.u32 s2, s30  }
0x6: {  	s31 =	sshrl.u32 s3, $0x1;
	s5 =	smin.u32 s2, $0x3C8;
	s2 =	simm.s32 $0x0  }
0x7: {  	s6 =	ssub.s32 s3, s31;
	s5 =	sshll.u32 s5, $0x4;
	[smem:$0x7FF] =	sst s2  }
0x8: {  	s6 =	smax.u32 s6, $0x1;
	s5 =	sadd.s32 s5, s4;
	_ =	strace $0x80000047  }
0x9: {  	s3 =	sadd.s32 $0x2000, s5;
	s4 =	sadd.s32 $0x6000, s5;
	s5 =	sadd.s32 $0xA000, s5  }
.LBB2_1:
0xa: {  	[tilespmem:s2], [sflag:$0x1] =	stream.linear.gather [hbm4b:s3+s2], $0x1000, $0x38;
	[tilespmem:$0x2000] =	vst v63  }
0xb: {  	_ =	swait.ge [sflag:s7], $0x1000  }
0xc: {  	[sflag:s7] =	ssyncset.done $0x0  }
0xd: {  	[sflag:s7] =	ssyncadd.s32 $0xFFFFF000  }
0xe: {  	[tilespmem:s8], [sflag:$0x1] =	stream.linear.gather [hbm4b:s4+s2], $0x1000, $0x38;
	[tilespmem:$0x2000] =	vst v63  }
0xf: {  	_ =	swait.ge [sflag:s7], $0x1000  }
0x10: {  	[sflag:s7] =	ssyncset.done $0x0  }
0x11: {  	s10 =	simm.s32 $0x0;
	[sflag:s7] =	ssyncadd.s32 $0xFFFFF000  }
0x12: {  	v6 =	vld [tilespmem:s10+$0x1000]  }
0x13: {  	v7 =	vld [tilespmem:s10+$0x1010]  }
0x14: {  	v8 =	vld [tilespmem:s10+$0x1020]  }
0x15: {  	v9 =	vld [tilespmem:s10+$0x1030]  }
0x16: {  	v10 =	vld [tilespmem:s10+$0x1080]  }
0x17: {  	v11 =	vld [tilespmem:s10+$0x1090]  }
0x18: {  	v12 =	vld [tilespmem:s10+$0x10A0]  }
0x19: {  	v13 =	vld [tilespmem:s10+$0x10B0]  }
0x1a: {  	v14 =	vld [tilespmem:s10+$0x1100]  }
0x1b: {  	v15 =	vld [tilespmem:s10+$0x1110]  }
0x1c: {  	v16 =	vld [tilespmem:s10+$0x1120]  }
0x1d: {  	v17 =	vld [tilespmem:s10+$0x1130]  }
0x1e: {  	v18 =	vld [tilespmem:s10+$0x1180]  }
0x1f: {  	v19 =	vld [tilespmem:s10+$0x1190]  }
0x20: {  	v20 =	vld [tilespmem:s10+$0x11A0]  }
0x21: {  	v21 =	vld [tilespmem:s10+$0x11B0]  }
0x22: {  	v22 =	vld [tilespmem:s10+$0x1200]  }
0x23: {  	v23 =	vld [tilespmem:s10+$0x1210]  }
0x24: {  	v24 =	vld [tilespmem:s10+$0x1220]  }
0x25: {  	v25 =	vld [tilespmem:s10+$0x1230]  }
0x26: {  	v26 =	vld [tilespmem:s10+$0x1280]  }
0x27: {  	v27 =	vld [tilespmem:s10+$0x1290]  }
0x28: {  	v28 =	vld [tilespmem:s10+$0x12A0]  }
0x29: {  	v29 =	vld [tilespmem:s10+$0x12B0]  }
0x2a: {  	v30 =	vld [tilespmem:s10+$0x1300]  }
0x2b: {  	v31 =	vld [tilespmem:s10+$0x1310]  }
0x2c: {  	v5 =	vld [tilespmem:s10+$0x1320]  }
0x2d: {  	v4 =	vld [tilespmem:s10+$0x1330]  }
0x2e: {  	v3 =	vld [tilespmem:s10+$0x1380]  }
0x2f: {  	v2 =	vld [tilespmem:s10+$0x1390]  }
0x30: {  	v1 =	vld [tilespmem:s10+$0x13A0]  }
0x31: {  	v32 =	vld [tilespmem:s10+$0x0]  }
0x32: {  	v33 =	vld [tilespmem:s10+$0x10]  }
0x33: {  	v34 =	vld [tilespmem:s10+$0x20]  }
0x34: {  	v35 =	vld [tilespmem:s10+$0x30]  }
0x35: {  	v36 =	vld [tilespmem:s10+$0x80]  }
0x36: {  	v63 =	vld [tilespmem:s10+$0x90];
	v6 =	vadd.f32 v6, v32  }
0x37: {  	v37 =	vld [tilespmem:s10+$0xA0];
	v7 =	vadd.f32 v7, v33  }
0x38: {  	v8 =	vadd.f32 v8, v34;
	[tilespmem:s10+$0x0] =	vst v6;
	v6 =	vld [tilespmem:s10+$0xB0]  }
0x39: {  	v9 =	vadd.f32 v9, v35;
	[tilespmem:s10+$0x10] =	vst v7;
	v7 =	vld [tilespmem:s10+$0x100]  }
0x3a: {  	v10 =	vadd.f32 v10, v36;
	[tilespmem:s10+$0x20] =	vst v8;
	v8 =	vld [tilespmem:s10+$0x110]  }
0x3b: {  	v11 =	vadd.f32 v11, v63;
	[tilespmem:s10+$0x30] =	vst v9;
	v9 =	vld [tilespmem:s10+$0x120]  }
0x3c: {  	v12 =	vadd.f32 v12, v37;
	[tilespmem:s10+$0x80] =	vst v10;
	v10 =	vld [tilespmem:s10+$0x130]  }
0x3d: {  	[tilespmem:s10+$0x90] =	vst v11;
	v11 =	vld [tilespmem:s10+$0x180];
	v6 =	vadd.f32 v13, v6  }
0x3e: {  	[tilespmem:s10+$0xA0] =	vst v12;
	v12 =	vld [tilespmem:s10+$0x190];
	v7 =	vadd.f32 v14, v7  }
0x3f: {  	v8 =	vadd.f32 v15, v8;
	[tilespmem:s10+$0xB0] =	vst v6;
	v6 =	vld [tilespmem:s10+$0x1A0]  }
0x40: {  	v9 =	vadd.f32 v16, v9;
	[tilespmem:s10+$0x100] =	vst v7;
	v7 =	vld [tilespmem:s10+$0x1B0]  }
0x41: {  	v10 =	vadd.f32 v17, v10;
	[tilespmem:s10+$0x110] =	vst v8;
	v8 =	vld [tilespmem:s10+$0x200]  }
0x42: {  	v11 =	vadd.f32 v18, v11;
	[tilespmem:s10+$0x120] =	vst v9;
	v9 =	vld [tilespmem:s10+$0x210]  }
0x43: {  	v12 =	vadd.f32 v19, v12;
	[tilespmem:s10+$0x130] =	vst v10;
	v10 =	vld [tilespmem:s10+$0x220]  }
0x44: {  	[tilespmem:s10+$0x180] =	vst v11;
	v11 =	vld [tilespmem:s10+$0x230];
	v6 =	vadd.f32 v20, v6  }
0x45: {  	[tilespmem:s10+$0x190] =	vst v12;
	v12 =	vld [tilespmem:s10+$0x280]  }
0x46: {  	v7 =	vadd.f32 v21, v7;
	[tilespmem:s10+$0x1A0] =	vst v6;
	v6 =	vld [tilespmem:s10+$0x290]  }
0x47: {  	v0 =	vld [tilespmem:s10+$0x13B0];
	v8 =	vadd.f32 v22, v8  }
0x48: {  	[tilespmem:s10+$0x1B0] =	vst v7;
	v7 =	vadd.f32 v23, v9;
	v9 =	vld [tilespmem:s10+$0x2B0]  }
0x49: {  	v13 =	vld [tilespmem:s10+$0x2A0];
	[tilespmem:s10+$0x200] =	vst v8;
	v8 =	vadd.f32 v24, v10  }
0x4a: {  	v10 =	vld [tilespmem:s10+$0x300];
	[tilespmem:s10+$0x210] =	vst v7;
	v7 =	vadd.f32 v25, v11  }
0x4b: {  	[tilespmem:s10+$0x220] =	vst v8;
	v11 =	vld [tilespmem:s10+$0x310];
	v8 =	vadd.f32 v26, v12;
	v12 =	vadd.f32 v27, v6  }
0x4c: {  	[tilespmem:s10+$0x230] =	vst v7;
	v7 =	vld [tilespmem:s10+$0x320]  }
0x4d: {  	v6 =	vld [tilespmem:s10+$0x330];
	[tilespmem:s10+$0x290] =	vst v12;
	v12 =	vadd.f32 v29, v9  }
0x4e: {  	v13 =	vadd.f32 v28, v13;
	[tilespmem:s10+$0x280] =	vst v8;
	v8 =	vld [tilespmem:s10+$0x380]  }
0x4f: {  	v9 =	vld [tilespmem:s10+$0x390];
	[tilespmem:s10+$0x2B0] =	vst v12;
	v12 =	vadd.f32 v30, v10  }
0x50: {  	s11 =	simm.s32 $0x1000;
	[tilespmem:s10+$0x2A0] =	vst v13;
	v11 =	vadd.f32 v31, v11;
	v10 =	vld [tilespmem:s10+$0x3A0]  }
.LBB2_2:
0x51: {  	s12 =	sshra.s32 s11, $0x2;
	p0 =	sne.s32 s11, $0x3000;
	[tilespmem:s10+$0x300] =	vst v12;
	v5 =	vadd.f32 v5, v7;
	v7 =	vld [tilespmem:s10+$0x3B0]  }
0x52: {  	v12 =	vld [tilespmem:s12+$0x1000];
	[tilespmem:s10+$0x310] =	vst v11;
	v4 =	vadd.f32 v4, v6  }
0x53: {  	v6 =	vld [tilespmem:s12+$0x1010];
	[tilespmem:s10+$0x320] =	vst v5;
	v3 =	vadd.f32 v3, v8  }
0x54: {  	v8 =	vld [tilespmem:s12+$0x1020];
	[tilespmem:s10+$0x330] =	vst v4;
	v2 =	vadd.f32 v2, v9  }
0x55: {  	v9 =	vld [tilespmem:s12+$0x1030];
	[tilespmem:s10+$0x380] =	vst v3;
	v1 =	vadd.f32 v1, v10  }
0x56: {  	v10 =	vld [tilespmem:s12+$0x1080];
	[tilespmem:s10+$0x390] =	vst v2;
	v0 =	vadd.f32 v0, v7  }
0x57: {  	v7 =	vld [tilespmem:s12+$0x1090];
	[tilespmem:s10+$0x3A0] =	vst v1  }
0x58: {  	v11 =	vld [tilespmem:s12+$0x10A0];
	[tilespmem:s10+$0x3B0] =	vst v0;
	s10 =	smov.u32 s12  }
0x59: {  	v13 =	vld [tilespmem:s10+$0x10B0]  }
0x5a: {  	v14 =	vld [tilespmem:s10+$0x1100]  }
0x5b: {  	v15 =	vld [tilespmem:s10+$0x1110]  }
0x5c: {  	v16 =	vld [tilespmem:s10+$0x1120]  }
0x5d: {  	v17 =	vld [tilespmem:s10+$0x1130]  }
0x5e: {  	v18 =	vld [tilespmem:s10+$0x1180]  }
0x5f: {  	v19 =	vld [tilespmem:s10+$0x1190]  }
0x60: {  	v20 =	vld [tilespmem:s10+$0x11A0]  }
0x61: {  	v21 =	vld [tilespmem:s10+$0x11B0]  }
0x62: {  	v22 =	vld [tilespmem:s10+$0x1200]  }
0x63: {  	v23 =	vld [tilespmem:s10+$0x1210]  }
0x64: {  	v24 =	vld [tilespmem:s10+$0x1220]  }
0x65: {  	v25 =	vld [tilespmem:s10+$0x1230]  }
0x66: {  	v26 =	vld [tilespmem:s10+$0x1280]  }
0x67: {  	v27 =	vld [tilespmem:s10+$0x1290]  }
0x68: {  	v28 =	vld [tilespmem:s10+$0x12A0]  }
0x69: {  	v29 =	vld [tilespmem:s10+$0x12B0]  }
0x6a: {  	v30 =	vld [tilespmem:s10+$0x1300]  }
0x6b: {  	v31 =	vld [tilespmem:s10+$0x1310]  }
0x6c: {  	v5 =	vld [tilespmem:s10+$0x1320]  }
0x6d: {  	v4 =	vld [tilespmem:s10+$0x1330]  }
0x6e: {  	v3 =	vld [tilespmem:s10+$0x1380]  }
0x6f: {  	v2 =	vld [tilespmem:s10+$0x1390]  }
0x70: {  	v1 =	vld [tilespmem:s10+$0x13A0]  }
0x71: {  	v0 =	vld [tilespmem:s10+$0x13B0]  }
0x72: {  	v32 =	vld [tilespmem:s10+$0x0]  }
0x73: {  	v33 =	vld [tilespmem:s10+$0x10]  }
0x74: {  	v34 =	vld [tilespmem:s10+$0x20]  }
0x75: {  	v35 =	vld [tilespmem:s10+$0x30]  }
0x76: {  	v36 =	vld [tilespmem:s10+$0x80]  }
0x77: {  	v12 =	vadd.f32 v12, v32;
	v32 =	vld [tilespmem:s10+$0x90]  }
0x78: {  	v6 =	vadd.f32 v6, v33;
	v33 =	vld [tilespmem:s10+$0xA0]  }
0x79: {  	[tilespmem:s10+$0x0] =	vst v12;
	v8 =	vadd.f32 v8, v34;
	v12 =	vld [tilespmem:s10+$0xB0]  }
0x7a: {  	[tilespmem:s10+$0x10] =	vst v6;
	v6 =	vadd.f32 v9, v35;
	v9 =	vld [tilespmem:s10+$0x100]  }
0x7b: {  	[tilespmem:s10+$0x20] =	vst v8;
	v8 =	vadd.f32 v10, v36;
	v10 =	vld [tilespmem:s10+$0x110]  }
0x7c: {  	[tilespmem:s10+$0x30] =	vst v6;
	v6 =	vadd.f32 v7, v32;
	v7 =	vld [tilespmem:s10+$0x120]  }
0x7d: {  	[tilespmem:s10+$0x80] =	vst v8;
	v8 =	vadd.f32 v11, v33;
	v11 =	vld [tilespmem:s10+$0x130]  }
0x7e: {  	[tilespmem:s10+$0x90] =	vst v6;
	v6 =	vadd.f32 v13, v12;
	v12 =	vld [tilespmem:s10+$0x180]  }
0x7f: {  	[tilespmem:s10+$0xA0] =	vst v8;
	v8 =	vadd.f32 v14, v9;
	v9 =	vld [tilespmem:s10+$0x190]  }
0x80: {  	[tilespmem:s10+$0xB0] =	vst v6;
	v6 =	vadd.f32 v15, v10;
	v10 =	vld [tilespmem:s10+$0x1A0]  }
0x81: {  	[tilespmem:s10+$0x100] =	vst v8;
	v7 =	vadd.f32 v16, v7;
	v8 =	vld [tilespmem:s10+$0x1B0]  }
0x82: {  	[tilespmem:s10+$0x110] =	vst v6;
	v6 =	vadd.f32 v17, v11;
	v11 =	vld [tilespmem:s10+$0x200]  }
0x83: {  	[tilespmem:s10+$0x120] =	vst v7;
	v7 =	vadd.f32 v18, v12;
	v12 =	vld [tilespmem:s10+$0x210]  }
0x84: {  	[tilespmem:s10+$0x130] =	vst v6;
	v6 =	vadd.f32 v19, v9;
	v9 =	vld [tilespmem:s10+$0x220]  }
0x85: {  	[tilespmem:s10+$0x180] =	vst v7;
	v7 =	vadd.f32 v20, v10;
	v10 =	vld [tilespmem:s10+$0x230]  }
0x86: {  	[tilespmem:s10+$0x190] =	vst v6;
	v6 =	vadd.f32 v21, v8;
	v8 =	vld [tilespmem:s10+$0x280]  }
0x87: {  	[tilespmem:s10+$0x1A0] =	vst v7;
	v7 =	vadd.f32 v22, v11;
	v11 =	vld [tilespmem:s10+$0x290]  }
0x88: {  	[tilespmem:s10+$0x1B0] =	vst v6;
	v6 =	vadd.f32 v23, v12;
	v12 =	vld [tilespmem:s10+$0x2A0]  }
0x89: {  	[tilespmem:s10+$0x200] =	vst v7;
	v7 =	vadd.f32 v24, v9;
	v9 =	vld [tilespmem:s10+$0x2B0]  }
0x8a: {  	[tilespmem:s10+$0x210] =	vst v6;
	v6 =	vadd.f32 v25, v10;
	v10 =	vld [tilespmem:s10+$0x300]  }
0x8b: {  	[tilespmem:s10+$0x220] =	vst v7;
	v8 =	vadd.f32 v26, v8;
	v13 =	vld [tilespmem:s10+$0x310]  }
.Ltmp0:
0x8c: {  	[tilespmem:s10+$0x230] =	vst v6;
	v11 =	vadd.f32 v27, v11;
	v7 =	vld [tilespmem:s10+$0x320];
	(pc) =	sbr.rel @p0 .LBB2_2-.Ltmp0, $4  }
0x8d: {  	[tilespmem:s10+$0x280] =	vst v8;
	v12 =	vadd.f32 v28, v12;
	v6 =	vld [tilespmem:s10+$0x330]  }
0x8e: {  	[tilespmem:s10+$0x290] =	vst v11;
	v11 =	vadd.f32 v29, v9;
	v8 =	vld [tilespmem:s10+$0x380]  }
0x8f: {  	[tilespmem:s10+$0x2A0] =	vst v12;
	v12 =	vadd.f32 v30, v10;
	v9 =	vld [tilespmem:s10+$0x390]  }
0x90: {  	s11 =	sadd.s32 $0x1000, s11;
	[tilespmem:s10+$0x2B0] =	vst v11;
	v11 =	vadd.f32 v31, v13;
	v10 =	vld [tilespmem:s10+$0x3A0]  }
0x91: {  	[tilespmem:s10+$0x300] =	vst v12;
	v5 =	vadd.f32 v5, v7;
	v63 =	vld [tilespmem:s10+$0x3B0]  }
0x92: {  	[tilespmem:s10+$0x310] =	vst v11;
	v4 =	vadd.f32 v4, v6  }
0x93: {  	[tilespmem:s10+$0x320] =	vst v5;
	v3 =	vadd.f32 v3, v8  }
0x94: {  	[tilespmem:s10+$0x330] =	vst v4;
	v2 =	vadd.f32 v2, v9  }
0x95: {  	[tilespmem:s10+$0x380] =	vst v3;
	v1 =	vadd.f32 v1, v10  }
0x96: {  	s9 =	sadd.s32 $0x1, s9;
	[tilespmem:s10+$0x390] =	vst v2;
	v0 =	vadd.f32 v0, v63  }
0x97: {  	p0 =	sne.s32 s9, s6;
	[tilespmem:s10+$0x3A0] =	vst v1  }
.Ltmp1:
0x98: {  	[tilespmem:s10+$0x3B0] =	vst v0;
	(pc) =	sbr.rel @p0 .LBB2_1-.Ltmp1, $4  }
0x99: {  	[hbm4b:s5+s2] =	stream.linear.scatter [tilespmem:s2], [sflag:$0x1], $0x1000, $0x38;
	[tilespmem:$0x2000] =	vst v63  }
0x9a: {  	_ =	swait.ge [sflag:s7], $0x1000  }
0x9b: {  	[sflag:s7] =	ssyncset.done $0x0  }
0x9c: {  	[sflag:s7] =	ssyncadd.s32 $0xFFFFF000  }
0x9d: {  	_ =	sfence.sel $0x180000  }
0x9e: {  	[bflag:$0x0] =	sbarrier.arrive $0xFFFF  }
0x9f: {  	p0 =	sne.s32 s0, $0x0;
	_ =	strace $0x90000047  }
0xa0: {  	s0 =	sadd.s32 @!p0 $0x100000, s1;
	[bflag:$0x2] =	sbarrier.arrive $0xFFFF  }
0xa1: {  	[sflag:s0] =	ssyncadd.tile.s32 @!p0 $0x1;
	_ =	shalt  }
.Lfunc_end2:
_tile_overlayer_lowered:
.L_overlay_start_2:
0xa2: {  	(tag) =	ssettag $0x2  }
0xa3: {  	s0 =	rddreg [dreg:$0x0];
	s2 =	stileid.u32  }
0xa4: {  	s1 =	rddreg [dreg:$0x1];
	p0 =	sne.s32 s2, $0x0  }
0xa5: {  	s3 =	rddreg [dreg:$0x2];
	[bflag:$0x3] =	sbarrier.arrive $0xFFFF;
	s2 =	simm.s32 @!p0 $0x1C01  }
0xa6: {  	[timem:s3], [sflag:s2] =	dma.local @!p0 [hbm:s0], s1  }
0xa7: {  	s0 =	simm.s32 @!p0 $0x1  }
0xa8: {  	_ =	swait.ge @!p0 [sflag:s0], s1  }
0xa9: {  	s1 =	ssub.s32 @!p0 $0x0, s1;
	[sflag:s0] =	ssyncset.done @!p0 $0x0  }
0xaa: {  	[sflag:s0] =	ssyncadd.s32 @!p0 s1  }
0xab: {  	[bflag:$0x3] =	sbarrier.arrive $0xFFFF  }
0xac: {  	_ =	shalt  }

</sc_bundles>
